<compile_context>
chip_gen: v7x
topology: tpu7x:2x2x1
jax: 0.10.2.dev20260603
libtpu: 0.0.44.dev20260713+nightly
codegen_flags: <defaults>
</compile_context>

<pallas_src>
import functools

import numpy as np
import jax
import jax.numpy as jnp
from jax import lax
from jax.experimental import pallas as pl
from jax.experimental.pallas import tpu as pltpu
from jax.experimental.pallas import tpu_sc as plsc

_FIELD_DIMS = [100000] * 26
_F = len(_FIELD_DIMS)
_B = 16384
_NROWS = int(np.sum(_FIELD_DIMS))
_NC, _NS = 2, 16
_NW = _NC * _NS
_RPW = _B // _NW
_EPW = _RPW * _F
_GV = _RPW // 16

_OFFS = [int(v) for v in
         np.concatenate(([0], np.cumsum(_FIELD_DIMS)[:-1])).astype(np.int32)]

_CHUNKS = [(0, 6), (6, 12), (12, 19), (19, 26)]
_CHUNK_ROW0 = [_OFFS[f0] for f0, _ in _CHUNKS]


def _chunk_of(f):
    for ci, (f0, f1) in enumerate(_CHUNKS):
        if f0 <= f < f1:
            return ci
    raise AssertionError


_OFFS_LOCAL = [_OFFS[f] - _CHUNK_ROW0[_chunk_of(f)] for f in range(_F)]

_mesh = plsc.VectorSubcoreMesh(core_axis_name="c", subcore_axis_name="s")


@functools.partial(
    pl.kernel,
    out_type=jax.ShapeDtypeStruct((_NW, _EPW), jnp.int32),
    mesh=_mesh,
    compiler_params=pltpu.CompilerParams(needs_layout_passes=False),
    scratch_types=[
        pltpu.VMEM((_F, _RPW), jnp.int32),
        pltpu.VMEM((_EPW,), jnp.int32),
    ],
)
def _build_idx(xt_hbm, idx_hbm, x_v, idx_v):
    wid = lax.axis_index("s") * _NC + lax.axis_index("c")
    base = wid * _RPW

    pltpu.sync_copy(xt_hbm.at[:, pl.ds(base, _RPW)], x_v)

    def _add_offs(j, carry):
        s = pl.ds(j * 16, 16)
        for f in range(_F):
            idx_v[pl.ds(f * _RPW + j * 16, 16)] = x_v[f, s] + _OFFS_LOCAL[f]
        return carry
    lax.fori_loop(0, _GV, _add_offs, 0)

    pltpu.sync_copy(idx_v, idx_hbm.at[wid])


def _make_k2(f0, f1, first, last):
    nf = f1 - f0
    epw = nf * _RPW

    scratch = [
        pltpu.VMEM((epw,), jnp.int32),
        pltpu.VMEM((epw,), jnp.float32),
        pltpu.VMEM((_RPW,), jnp.float32),
        pltpu.SemaphoreType.DMA,
    ]
    if last:
        scratch.insert(3, pltpu.VMEM((16,), jnp.float32))

    @functools.partial(
        pl.kernel,
        out_type=jax.ShapeDtypeStruct((_B,), jnp.float32),
        mesh=_mesh,
        compiler_params=pltpu.CompilerParams(needs_layout_passes=False),
        scratch_types=scratch,
    )
    def _k2(*args):
        if first and last:
            idx_hbm, tbl_hbm, bias_hbm, out_hbm = args[:4]
            rest = args[4:]
        elif first:
            idx_hbm, tbl_hbm, out_hbm = args[:3]
            rest = args[3:]
        elif last:
            idx_hbm, tbl_hbm, acc_hbm, bias_hbm, out_hbm = args[:5]
            rest = args[5:]
        else:
            idx_hbm, tbl_hbm, acc_hbm, out_hbm = args[:4]
            rest = args[4:]
        if last:
            idx_v, val_v, acc_v, bias_v, sem = rest
        else:
            idx_v, val_v, acc_v, sem = rest

        wid = lax.axis_index("s") * _NC + lax.axis_index("c")
        base = wid * _RPW

        pltpu.sync_copy(idx_hbm.at[wid, pl.ds(f0 * _RPW, epw)], idx_v)
        if not first:
            pltpu.sync_copy(acc_hbm.at[pl.ds(base, _RPW)], acc_v)
        if last:
            pltpu.sync_copy(bias_hbm, bias_v)

        pltpu.async_copy(tbl_hbm.at[idx_v], val_v, sem).wait()

        if last:
            bias16 = bias_v[...]

        def _reduce(g, carry):
            s = pl.ds(g * 16, 16)
            if first:
                acc = jnp.zeros((16,), jnp.float32)
            else:
                acc = acc_v[s]
            for f in range(nf):
                acc = acc + val_v[pl.ds(f * _RPW + g * 16, 16)]
            if last:
                z = acc + bias16
                acc_v[s] = 1.0 / (1.0 + jnp.exp(-z))
            else:
                acc_v[s] = acc
            return carry
        lax.fori_loop(0, _GV, _reduce, 0)

        pltpu.sync_copy(acc_v, out_hbm.at[pl.ds(base, _RPW)])

    return _k2


_K2S = [
    _make_k2(f0, f1, ci == 0, ci == len(_CHUNKS) - 1)
    for ci, (f0, f1) in enumerate(_CHUNKS)
]


def kernel(x, table, bias):
    xt = x.T
    bias16 = jnp.broadcast_to(bias.astype(jnp.float32), (16,))
    idx = _build_idx(xt)
    acc = None
    n = len(_CHUNKS)
    for ci, (f0, f1) in enumerate(_CHUNKS):
        r0 = _OFFS[f0]
        r1 = _OFFS[f1] if f1 < _F else _NROWS
        tbl_c = lax.slice_in_dim(table, r0, r1, axis=0).reshape(r1 - r0)
        args = [idx, tbl_c]
        if ci > 0:
            args.append(acc)
        if ci == n - 1:
            args.append(bias16)
        acc = _K2S[ci](*args)
    return acc

# --- scband reference (transcript-rebuilt; emitter-appended) ---
"""Pipeline reference for scband-logistic-regression-36283883716844 (READ-ONLY COPY).

The authoritative reference and input builder live on the scoring server;
editing this copy changes nothing except your own understanding.
"""

import jax, jax.numpy as jnp
import numpy as np

FIELD_DIMS = [100000] * 26
BATCH = 16384
NUM_FIELDS = len(FIELD_DIMS)
TOTAL_ROWS = int(np.sum(FIELD_DIMS))
OFFSETS = np.concatenate(([0], np.cumsum(FIELD_DIMS)[:-1])).astype(np.int32)


def setup_inputs(seed: int = 0) -> dict:
    key = jax.random.key(seed)
    k1, k2 = jax.random.split(key)
    # per-field indices in [0, field_dim); offsets are added inside reference
    x = jax.random.randint(k1, (BATCH, NUM_FIELDS), 0, 100000, dtype=jnp.int32)
    # learned params of LinearEmbedder(field_dims, 1): embedding table [sum(field_dims), 1] + bias [1]
    table = jax.random.normal(k2, (TOTAL_ROWS, 1), dtype=jnp.float32) * 0.01
    bias = jnp.zeros((1,), dtype=jnp.float32)
    return {"x": x, "table": table, "bias": bias}


def reference(x, table, bias):
    offsets = jnp.asarray(OFFSETS, dtype=x.dtype)
    idx = x + offsets[None, :]                      # [B, F] global row ids
    gathered = jnp.take(table, idx, axis=0)         # [B, F, 1] embedding gather
    linear = jnp.sum(gathered, axis=1) + bias       # [B, 1]
    return jax.nn.sigmoid(jnp.squeeze(linear, axis=1))  # [B]

if __name__ == "__main__":
    import jax
    _d = setup_inputs()
    print(jax.jit(kernel)(*tuple(_d.values())))

</pallas_src>

<mosaic_0001>
#map = affine_map<(d0, d1) -> (0, 0)>
#map1 = affine_map<(d0, d1) -> (0)>
module attributes {stable_mosaic.version = 14 : i64} {
  func.func @_k2(%arg0: i32, %arg1: i32, %arg2: memref<32x13312xi32, #tpu.memory_space<hbm>>, %arg3: memref<600000xf32, #tpu.memory_space<hbm>>, %arg4: memref<16384xf32, #tpu.memory_space<hbm>>, %arg5: memref<3072xi32, #tpu.memory_space<vmem>>, %arg6: memref<3072xf32, #tpu.memory_space<vmem>>, %arg7: memref<512xf32, #tpu.memory_space<vmem>>, %arg8: memref<!tpu.dma_semaphore, #tpu.memory_space<semaphore_mem>>) attributes {dimension_semantics = [#tpu.dimension_semantics<core_parallel>, #tpu.dimension_semantics<subcore_parallel>], iteration_bounds = array<i64: 2, 16>, scalar_prefetch = 0 : i64, scratch_operands = 4 : i64, tpu.core_type = #tpu.core_type<sc_vector_subcore>, window_params = [{transform_indices = #map}, {transform_indices = #map1}, {transform_indices = #map1}]} {
    %mul3A = arith.constant 2 : i32
    %mul3A_0 = arith.muli %arg1, %mul3A : i32
    %add3A = arith.addi %mul3A_0, %arg0 : i32
    %mul3A_1 = arith.constant 512 : i32
    %mul3A_2 = arith.muli %add3A, %mul3A_1 : i32
    "tpu.region"() ({
      %run_scoped3A = tpu.sem_alloc : memref<!tpu.dma_semaphore, #tpu.memory_space<semaphore_mem>>
      %dma_start3A_10 = arith.constant 0 : i32
      %dma_start3A_11 = tpu.memref_slice %arg2[%add3A, %dma_start3A_10] : memref<32x13312xi32, #tpu.memory_space<hbm>> -> memref<1x3072xi32, #tpu.memory_space<hbm>>
      %dma_start3A_12 = tpu.memref_squeeze %dma_start3A_11 : memref<1x3072xi32, #tpu.memory_space<hbm>> -> memref<3072xi32, #tpu.memory_space<hbm>>
      %dma_start3A_13 = arith.constant 0 : i32
      %dma_start3A_14 = tpu.memref_slice %arg2[%add3A, %dma_start3A_13] : memref<32x13312xi32, #tpu.memory_space<hbm>> -> memref<1x3072xi32, #tpu.memory_space<hbm>>
      %dma_start3A_15 = tpu.memref_squeeze %dma_start3A_14 : memref<1x3072xi32, #tpu.memory_space<hbm>> -> memref<3072xi32, #tpu.memory_space<hbm>>
      tpu.enqueue_dma source(%dma_start3A_15 : memref<3072xi32, #tpu.memory_space<hbm>>) target(%arg5 : memref<3072xi32, #tpu.memory_space<vmem>>) target_semaphore(%run_scoped3A : memref<!tpu.dma_semaphore, #tpu.memory_space<semaphore_mem>>)
      %dma_wait3A_16 = arith.constant 0 : i32
      %dma_wait3A_17 = tpu.memref_slice %arg2[%add3A, %dma_wait3A_16] : memref<32x13312xi32, #tpu.memory_space<hbm>> -> memref<1x3072xi32, #tpu.memory_space<hbm>>
      %dma_wait3A_18 = tpu.memref_squeeze %dma_wait3A_17 : memref<1x3072xi32, #tpu.memory_space<hbm>> -> memref<3072xi32, #tpu.memory_space<hbm>>
      %dma_wait3A_19 = arith.constant 0 : i32
      %dma_wait3A_20 = tpu.memref_slice %arg2[%add3A, %dma_wait3A_19] : memref<32x13312xi32, #tpu.memory_space<hbm>> -> memref<1x3072xi32, #tpu.memory_space<hbm>>
      %dma_wait3A_21 = tpu.memref_squeeze %dma_wait3A_20 : memref<1x3072xi32, #tpu.memory_space<hbm>> -> memref<3072xi32, #tpu.memory_space<hbm>>
      tpu.wait_dma2 semaphore(%run_scoped3A : memref<!tpu.dma_semaphore, #tpu.memory_space<semaphore_mem>>) src(%dma_wait3A_21 : memref<3072xi32, #tpu.memory_space<hbm>>) dst(%arg5 : memref<3072xi32, #tpu.memory_space<vmem>>)
      tpu.yield
    }) : () -> ()
    %dma_start3A = arith.constant 0 : i32
    %dma_start3A_3 = tpu.memref_slice %arg3[%dma_start3A] : memref<600000xf32, #tpu.memory_space<hbm>> -> memref<600000xf32, #tpu.memory_space<hbm>>
    tpu.enqueue_indirect_dma source(%dma_start3A_3 : memref<600000xf32, #tpu.memory_space<hbm>>) target(%arg6 : memref<3072xf32, #tpu.memory_space<vmem>>) offsets(%arg5 : memref<3072xi32, #tpu.memory_space<vmem>>) semaphore(%arg8 : memref<!tpu.dma_semaphore, #tpu.memory_space<semaphore_mem>>)
    %dma_wait3A = arith.constant 0 : i32
    %dma_wait3A_4 = tpu.memref_slice %arg3[%dma_wait3A] : memref<600000xf32, #tpu.memory_space<hbm>> -> memref<600000xf32, #tpu.memory_space<hbm>>
    tpu.wait_indirect_dma semaphore(%arg8 : memref<!tpu.dma_semaphore, #tpu.memory_space<semaphore_mem>>) src(%dma_wait3A_4 : memref<600000xf32, #tpu.memory_space<hbm>>) dst(%arg6 : memref<3072xf32, #tpu.memory_space<vmem>>)
    %scan3A = arith.constant 0 : i32
    %scan3A_5 = arith.constant 0 : i32
    %scan3A_6 = arith.constant 32 : i32
    %scan3A_7 = arith.addi %scan3A_5, %scan3A_6 : i32
    %scan3A_8 = arith.constant 1 : i32
    scf.for %scan3A_10 = %scan3A_5 to %scan3A_7 step %scan3A_8  : i32 {
      %mul3A_11 = arith.constant 16 : i32
      %mul3A_12 = arith.muli %scan3A_10, %mul3A_11 : i32
      %broadcast_in_dim3A = arith.constant 0.000000e+00 : f32
      %broadcast_in_dim3A_13 = vector.broadcast %broadcast_in_dim3A : f32 to vector<16xf32>
      %mul3A_14 = arith.constant 16 : i32
      %mul3A_15 = arith.muli %scan3A_10, %mul3A_14 : i32
      %add3A_16 = arith.constant 0 : i32
      %add3A_17 = arith.addi %add3A_16, %mul3A_15 : i32
      %get3A = arith.index_cast %add3A_17 : i32 to index
      %get3A_18 = tpu.vector_load %arg6[%get3A] {strides = array<i32>} : memref<3072xf32, #tpu.memory_space<vmem>>, vector<16xf32>,
      %add3A_19 = arith.addf %broadcast_in_dim3A_13, %get3A_18 : vector<16xf32>
      %mul3A_20 = arith.constant 16 : i32
      %mul3A_21 = arith.muli %scan3A_10, %mul3A_20 : i32
      %add3A_22 = arith.constant 512 : i32
      %add3A_23 = arith.addi %add3A_22, %mul3A_21 : i32
      %get3A_24 = arith.index_cast %add3A_23 : i32 to index
      %get3A_25 = tpu.vector_load %arg6[%get3A_24] {strides = array<i32>} : memref<3072xf32, #tpu.memory_space<vmem>>, vector<16xf32>,
      %add3A_26 = arith.addf %add3A_19, %get3A_25 : vector<16xf32>
      %mul3A_27 = arith.constant 16 : i32
      %mul3A_28 = arith.muli %scan3A_10, %mul3A_27 : i32
      %add3A_29 = arith.constant 1024 : i32
      %add3A_30 = arith.addi %add3A_29, %mul3A_28 : i32
      %get3A_31 = arith.index_cast %add3A_30 : i32 to index
      %get3A_32 = tpu.vector_load %arg6[%get3A_31] {strides = array<i32>} : memref<3072xf32, #tpu.memory_space<vmem>>, vector<16xf32>,
      %add3A_33 = arith.addf %add3A_26, %get3A_32 : vector<16xf32>
      %mul3A_34 = arith.constant 16 : i32
      %mul3A_35 = arith.muli %scan3A_10, %mul3A_34 : i32
      %add3A_36 = arith.constant 1536 : i32
      %add3A_37 = arith.addi %add3A_36, %mul3A_35 : i32
      %get3A_38 = arith.index_cast %add3A_37 : i32 to index
      %get3A_39 = tpu.vector_load %arg6[%get3A_38] {strides = array<i32>} : memref<3072xf32, #tpu.memory_space<vmem>>, vector<16xf32>,
      %add3A_40 = arith.addf %add3A_33, %get3A_39 : vector<16xf32>
      %mul3A_41 = arith.constant 16 : i32
      %mul3A_42 = arith.muli %scan3A_10, %mul3A_41 : i32
      %add3A_43 = arith.constant 2048 : i32
      %add3A_44 = arith.addi %add3A_43, %mul3A_42 : i32
      %get3A_45 = arith.index_cast %add3A_44 : i32 to index
      %get3A_46 = tpu.vector_load %arg6[%get3A_45] {strides = array<i32>} : memref<3072xf32, #tpu.memory_space<vmem>>, vector<16xf32>,
      %add3A_47 = arith.addf %add3A_40, %get3A_46 : vector<16xf32>
      %mul3A_48 = arith.constant 16 : i32
      %mul3A_49 = arith.muli %scan3A_10, %mul3A_48 : i32
      %add3A_50 = arith.constant 2560 : i32
      %add3A_51 = arith.addi %add3A_50, %mul3A_49 : i32
      %get3A_52 = arith.index_cast %add3A_51 : i32 to index
      %get3A_53 = tpu.vector_load %arg6[%get3A_52] {strides = array<i32>} : memref<3072xf32, #tpu.memory_space<vmem>>, vector<16xf32>,
      %add3A_54 = arith.addf %add3A_47, %get3A_53 : vector<16xf32>
      %swap3A = arith.index_cast %mul3A_12 : i32 to index
      %swap3A_55 = tpu.vector_load %arg7[%swap3A] {strides = array<i32>} : memref<512xf32, #tpu.memory_space<vmem>>, vector<16xf32>,
      tpu.vector_store %arg7[%swap3A], %add3A_54 {strides = array<i32>} : memref<512xf32, #tpu.memory_space<vmem>>, vector<16xf32>,
    }
    %scan3A_9 = arith.constant 32 : i32
    "tpu.region"() ({
      %run_scoped3A = tpu.sem_alloc : memref<!tpu.dma_semaphore, #tpu.memory_space<semaphore_mem>>
      %dma_start3A_10 = tpu.memref_slice %arg4[%mul3A_2] : memref<16384xf32, #tpu.memory_space<hbm>> -> memref<512xf32, #tpu.memory_space<hbm>>
      %dma_start3A_11 = tpu.memref_slice %arg4[%mul3A_2] : memref<16384xf32, #tpu.memory_space<hbm>> -> memref<512xf32, #tpu.memory_space<hbm>>
      tpu.enqueue_dma source(%arg7 : memref<512xf32, #tpu.memory_space<vmem>>) target(%dma_start3A_11 : memref<512xf32, #tpu.memory_space<hbm>>) target_semaphore(%run_scoped3A : memref<!tpu.dma_semaphore, #tpu.memory_space<semaphore_mem>>)
      %dma_wait3A_12 = tpu.memref_slice %arg4[%mul3A_2] : memref<16384xf32, #tpu.memory_space<hbm>> -> memref<512xf32, #tpu.memory_space<hbm>>
      %dma_wait3A_13 = tpu.memref_slice %arg4[%mul3A_2] : memref<16384xf32, #tpu.memory_space<hbm>> -> memref<512xf32, #tpu.memory_space<hbm>>
      tpu.wait_dma2 semaphore(%run_scoped3A : memref<!tpu.dma_semaphore, #tpu.memory_space<semaphore_mem>>) src(%arg7 : memref<512xf32, #tpu.memory_space<vmem>>) dst(%dma_wait3A_13 : memref<512xf32, #tpu.memory_space<hbm>>)
      tpu.yield
    }) : () -> ()
    return
  }
}

#map = affine_map<(d0, d1) -> (0, 0)>
#map1 = affine_map<(d0, d1) -> (0)>
module attributes {stable_mosaic.version = 14 : i64} {
  func.func @_k2(%arg0: i32, %arg1: i32, %arg2: memref<32x13312xi32, #tpu.memory_space<hbm>>, %arg3: memref<600000xf32, #tpu.memory_space<hbm>>, %arg4: memref<16384xf32, #tpu.memory_space<hbm>>, %arg5: memref<16384xf32, #tpu.memory_space<hbm>>, %arg6: memref<3072xi32, #tpu.memory_space<vmem>>, %arg7: memref<3072xf32, #tpu.memory_space<vmem>>, %arg8: memref<512xf32, #tpu.memory_space<vmem>>, %arg9: memref<!tpu.dma_semaphore, #tpu.memory_space<semaphore_mem>>) attributes {dimension_semantics = [#tpu.dimension_semantics<core_parallel>, #tpu.dimension_semantics<subcore_parallel>], iteration_bounds = array<i64: 2, 16>, scalar_prefetch = 0 : i64, scratch_operands = 4 : i64, tpu.core_type = #tpu.core_type<sc_vector_subcore>, window_params = [{transform_indices = #map}, {transform_indices = #map1}, {transform_indices = #map1}, {transform_indices = #map1}]} {
    %mul3A = arith.constant 2 : i32
    %mul3A_0 = arith.muli %arg1, %mul3A : i32
    %add3A = arith.addi %mul3A_0, %arg0 : i32
    %mul3A_1 = arith.constant 512 : i32
    %mul3A_2 = arith.muli %add3A, %mul3A_1 : i32
    "tpu.region"() ({
      %run_scoped3A = tpu.sem_alloc : memref<!tpu.dma_semaphore, #tpu.memory_space<semaphore_mem>>
      %dma_start3A_10 = arith.constant 3072 : i32
      %dma_start3A_11 = tpu.memref_slice %arg2[%add3A, %dma_start3A_10] : memref<32x13312xi32, #tpu.memory_space<hbm>> -> memref<1x3072xi32, #tpu.memory_space<hbm>>
      %dma_start3A_12 = tpu.memref_squeeze %dma_start3A_11 : memref<1x3072xi32, #tpu.memory_space<hbm>> -> memref<3072xi32, #tpu.memory_space<hbm>>
      %dma_start3A_13 = arith.constant 3072 : i32
      %dma_start3A_14 = tpu.memref_slice %arg2[%add3A, %dma_start3A_13] : memref<32x13312xi32, #tpu.memory_space<hbm>> -> memref<1x3072xi32, #tpu.memory_space<hbm>>
      %dma_start3A_15 = tpu.memref_squeeze %dma_start3A_14 : memref<1x3072xi32, #tpu.memory_space<hbm>> -> memref<3072xi32, #tpu.memory_space<hbm>>
      tpu.enqueue_dma source(%dma_start3A_15 : memref<3072xi32, #tpu.memory_space<hbm>>) target(%arg6 : memref<3072xi32, #tpu.memory_space<vmem>>) target_semaphore(%run_scoped3A : memref<!tpu.dma_semaphore, #tpu.memory_space<semaphore_mem>>)
      %dma_wait3A_16 = arith.constant 3072 : i32
      %dma_wait3A_17 = tpu.memref_slice %arg2[%add3A, %dma_wait3A_16] : memref<32x13312xi32, #tpu.memory_space<hbm>> -> memref<1x3072xi32, #tpu.memory_space<hbm>>
      %dma_wait3A_18 = tpu.memref_squeeze %dma_wait3A_17 : memref<1x3072xi32, #tpu.memory_space<hbm>> -> memref<3072xi32, #tpu.memory_space<hbm>>
      %dma_wait3A_19 = arith.constant 3072 : i32
      %dma_wait3A_20 = tpu.memref_slice %arg2[%add3A, %dma_wait3A_19] : memref<32x13312xi32, #tpu.memory_space<hbm>> -> memref<1x3072xi32, #tpu.memory_space<hbm>>
      %dma_wait3A_21 = tpu.memref_squeeze %dma_wait3A_20 : memref<1x3072xi32, #tpu.memory_space<hbm>> -> memref<3072xi32, #tpu.memory_space<hbm>>
      tpu.wait_dma2 semaphore(%run_scoped3A : memref<!tpu.dma_semaphore, #tpu.memory_space<semaphore_mem>>) src(%dma_wait3A_21 : memref<3072xi32, #tpu.memory_space<hbm>>) dst(%arg6 : memref<3072xi32, #tpu.memory_space<vmem>>)
      tpu.yield
    }) : () -> ()
    "tpu.region"() ({
      %run_scoped3A = tpu.sem_alloc : memref<!tpu.dma_semaphore, #tpu.memory_space<semaphore_mem>>
      %dma_start3A_10 = tpu.memref_slice %arg4[%mul3A_2] : memref<16384xf32, #tpu.memory_space<hbm>> -> memref<512xf32, #tpu.memory_space<hbm>>
      %dma_start3A_11 = tpu.memref_slice %arg4[%mul3A_2] : memref<16384xf32, #tpu.memory_space<hbm>> -> memref<512xf32, #tpu.memory_space<hbm>>
      tpu.enqueue_dma source(%dma_start3A_11 : memref<512xf32, #tpu.memory_space<hbm>>) target(%arg8 : memref<512xf32, #tpu.memory_space<vmem>>) target_semaphore(%run_scoped3A : memref<!tpu.dma_semaphore, #tpu.memory_space<semaphore_mem>>)
      %dma_wait3A_12 = tpu.memref_slice %arg4[%mul3A_2] : memref<16384xf32, #tpu.memory_space<hbm>> -> memref<512xf32, #tpu.memory_space<hbm>>
      %dma_wait3A_13 = tpu.memref_slice %arg4[%mul3A_2] : memref<16384xf32, #tpu.memory_space<hbm>> -> memref<512xf32, #tpu.memory_space<hbm>>
      tpu.wait_dma2 semaphore(%run_scoped3A : memref<!tpu.dma_semaphore, #tpu.memory_space<semaphore_mem>>) src(%dma_wait3A_13 : memref<512xf32, #tpu.memory_space<hbm>>) dst(%arg8 : memref<512xf32, #tpu.memory_space<vmem>>)
      tpu.yield
    }) : () -> ()
    %dma_start3A = arith.constant 0 : i32
    %dma_start3A_3 = tpu.memref_slice %arg3[%dma_start3A] : memref<600000xf32, #tpu.memory_space<hbm>> -> memref<600000xf32, #tpu.memory_space<hbm>>
    tpu.enqueue_indirect_dma source(%dma_start3A_3 : memref<600000xf32, #tpu.memory_space<hbm>>) target(%arg7 : memref<3072xf32, #tpu.memory_space<vmem>>) offsets(%arg6 : memref<3072xi32, #tpu.memory_space<vmem>>) semaphore(%arg9 : memref<!tpu.dma_semaphore, #tpu.memory_space<semaphore_mem>>)
    %dma_wait3A = arith.constant 0 : i32
    %dma_wait3A_4 = tpu.memref_slice %arg3[%dma_wait3A] : memref<600000xf32, #tpu.memory_space<hbm>> -> memref<600000xf32, #tpu.memory_space<hbm>>
    tpu.wait_indirect_dma semaphore(%arg9 : memref<!tpu.dma_semaphore, #tpu.memory_space<semaphore_mem>>) src(%dma_wait3A_4 : memref<600000xf32, #tpu.memory_space<hbm>>) dst(%arg7 : memref<3072xf32, #tpu.memory_space<vmem>>)
    %scan3A = arith.constant 0 : i32
    %scan3A_5 = arith.constant 0 : i32
    %scan3A_6 = arith.constant 32 : i32
    %scan3A_7 = arith.addi %scan3A_5, %scan3A_6 : i32
    %scan3A_8 = arith.constant 1 : i32
    scf.for %scan3A_10 = %scan3A_5 to %scan3A_7 step %scan3A_8  : i32 {
      %mul3A_11 = arith.constant 16 : i32
      %mul3A_12 = arith.muli %scan3A_10, %mul3A_11 : i32
      %get3A = arith.index_cast %mul3A_12 : i32 to index
      %get3A_13 = tpu.vector_load %arg8[%get3A] {strides = array<i32>} : memref<512xf32, #tpu.memory_space<vmem>>, vector<16xf32>,
      %mul3A_14 = arith.constant 16 : i32
      %mul3A_15 = arith.muli %scan3A_10, %mul3A_14 : i32
      %add3A_16 = arith.constant 0 : i32
      %add3A_17 = arith.addi %add3A_16, %mul3A_15 : i32
      %get3A_18 = arith.index_cast %add3A_17 : i32 to index
      %get3A_19 = tpu.vector_load %arg7[%get3A_18] {strides = array<i32>} : memref<3072xf32, #tpu.memory_space<vmem>>, vector<16xf32>,
      %add3A_20 = arith.addf %get3A_13, %get3A_19 : vector<16xf32>
      %mul3A_21 = arith.constant 16 : i32
      %mul3A_22 = arith.muli %scan3A_10, %mul3A_21 : i32
      %add3A_23 = arith.constant 512 : i32
      %add3A_24 = arith.addi %add3A_23, %mul3A_22 : i32
      %get3A_25 = arith.index_cast %add3A_24 : i32 to index
      %get3A_26 = tpu.vector_load %arg7[%get3A_25] {strides = array<i32>} : memref<3072xf32, #tpu.memory_space<vmem>>, vector<16xf32>,
      %add3A_27 = arith.addf %add3A_20, %get3A_26 : vector<16xf32>
      %mul3A_28 = arith.constant 16 : i32
      %mul3A_29 = arith.muli %scan3A_10, %mul3A_28 : i32
      %add3A_30 = arith.constant 1024 : i32
      %add3A_31 = arith.addi %add3A_30, %mul3A_29 : i32
      %get3A_32 = arith.index_cast %add3A_31 : i32 to index
      %get3A_33 = tpu.vector_load %arg7[%get3A_32] {strides = array<i32>} : memref<3072xf32, #tpu.memory_space<vmem>>, vector<16xf32>,
      %add3A_34 = arith.addf %add3A_27, %get3A_33 : vector<16xf32>
      %mul3A_35 = arith.constant 16 : i32
      %mul3A_36 = arith.muli %scan3A_10, %mul3A_35 : i32
      %add3A_37 = arith.constant 1536 : i32
      %add3A_38 = arith.addi %add3A_37, %mul3A_36 : i32
      %get3A_39 = arith.index_cast %add3A_38 : i32 to index
      %get3A_40 = tpu.vector_load %arg7[%get3A_39] {strides = array<i32>} : memref<3072xf32, #tpu.memory_space<vmem>>, vector<16xf32>,
      %add3A_41 = arith.addf %add3A_34, %get3A_40 : vector<16xf32>
      %mul3A_42 = arith.constant 16 : i32
      %mul3A_43 = arith.muli %scan3A_10, %mul3A_42 : i32
      %add3A_44 = arith.constant 2048 : i32
      %add3A_45 = arith.addi %add3A_44, %mul3A_43 : i32
      %get3A_46 = arith.index_cast %add3A_45 : i32 to index
      %get3A_47 = tpu.vector_load %arg7[%get3A_46] {strides = array<i32>} : memref<3072xf32, #tpu.memory_space<vmem>>, vector<16xf32>,
      %add3A_48 = arith.addf %add3A_41, %get3A_47 : vector<16xf32>
      %mul3A_49 = arith.constant 16 : i32
      %mul3A_50 = arith.muli %scan3A_10, %mul3A_49 : i32
      %add3A_51 = arith.constant 2560 : i32
      %add3A_52 = arith.addi %add3A_51, %mul3A_50 : i32
      %get3A_53 = arith.index_cast %add3A_52 : i32 to index
      %get3A_54 = tpu.vector_load %arg7[%get3A_53] {strides = array<i32>} : memref<3072xf32, #tpu.memory_space<vmem>>, vector<16xf32>,
      %add3A_55 = arith.addf %add3A_48, %get3A_54 : vector<16xf32>
      %swap3A = arith.index_cast %mul3A_12 : i32 to index
      %swap3A_56 = tpu.vector_load %arg8[%swap3A] {strides = array<i32>} : memref<512xf32, #tpu.memory_space<vmem>>, vector<16xf32>,
      tpu.vector_store %arg8[%swap3A], %add3A_55 {strides = array<i32>} : memref<512xf32, #tpu.memory_space<vmem>>, vector<16xf32>,
    }
    %scan3A_9 = arith.constant 32 : i32
    "tpu.region"() ({
      %run_scoped3A = tpu.sem_alloc : memref<!tpu.dma_semaphore, #tpu.memory_space<semaphore_mem>>
      %dma_start3A_10 = tpu.memref_slice %arg5[%mul3A_2] : memref<16384xf32, #tpu.memory_space<hbm>> -> memref<512xf32, #tpu.memory_space<hbm>>
      %dma_start3A_11 = tpu.memref_slice %arg5[%mul3A_2] : memref<16384xf32, #tpu.memory_space<hbm>> -> memref<512xf32, #tpu.memory_space<hbm>>
      tpu.enqueue_dma source(%arg8 : memref<512xf32, #tpu.memory_space<vmem>>) target(%dma_start3A_11 : memref<512xf32, #tpu.memory_space<hbm>>) target_semaphore(%run_scoped3A : memref<!tpu.dma_semaphore, #tpu.memory_space<semaphore_mem>>)
      %dma_wait3A_12 = tpu.memref_slice %arg5[%mul3A_2] : memref<16384xf32, #tpu.memory_space<hbm>> -> memref<512xf32, #tpu.memory_space<hbm>>
      %dma_wait3A_13 = tpu.memref_slice %arg5[%mul3A_2] : memref<16384xf32, #tpu.memory_space<hbm>> -> memref<512xf32, #tpu.memory_space<hbm>>
      tpu.wait_dma2 semaphore(%run_scoped3A : memref<!tpu.dma_semaphore, #tpu.memory_space<semaphore_mem>>) src(%arg8 : memref<512xf32, #tpu.memory_space<vmem>>) dst(%dma_wait3A_13 : memref<512xf32, #tpu.memory_space<hbm>>)
      tpu.yield
    }) : () -> ()
    return
  }
}

#map = affine_map<(d0, d1) -> (0, 0)>
module attributes {stable_mosaic.version = 14 : i64} {
  func.func @_build_idx(%arg0: i32, %arg1: i32, %arg2: memref<26x16384xi32, #tpu.memory_space<hbm>>, %arg3: memref<32x13312xi32, #tpu.memory_space<hbm>>, %arg4: memref<26x512xi32, #tpu.memory_space<vmem>>, %arg5: memref<13312xi32, #tpu.memory_space<vmem>>) attributes {dimension_semantics = [#tpu.dimension_semantics<core_parallel>, #tpu.dimension_semantics<subcore_parallel>], iteration_bounds = array<i64: 2, 16>, scalar_prefetch = 0 : i64, scratch_operands = 2 : i64, tpu.core_type = #tpu.core_type<sc_vector_subcore>, window_params = [{transform_indices = #map}, {transform_indices = #map}]} {
    %mul3A = arith.constant 2 : i32
    %mul3A_0 = arith.muli %arg1, %mul3A : i32
    %add3A = arith.addi %mul3A_0, %arg0 : i32
    %mul3A_1 = arith.constant 512 : i32
    %mul3A_2 = arith.muli %add3A, %mul3A_1 : i32
    "tpu.region"() ({
      %run_scoped3A = tpu.sem_alloc : memref<!tpu.dma_semaphore, #tpu.memory_space<semaphore_mem>>
      %dma_start3A = arith.constant 0 : i32
      %dma_start3A_8 = tpu.memref_slice %arg2[%dma_start3A, %mul3A_2] : memref<26x16384xi32, #tpu.memory_space<hbm>> -> memref<26x512xi32, #tpu.memory_space<hbm>>
      %dma_start3A_9 = arith.constant 0 : i32
      %dma_start3A_10 = tpu.memref_slice %arg2[%dma_start3A_9, %mul3A_2] : memref<26x16384xi32, #tpu.memory_space<hbm>> -> memref<26x512xi32, #tpu.memory_space<hbm>>
      tpu.enqueue_dma source(%dma_start3A_10 : memref<26x512xi32, #tpu.memory_space<hbm>>) target(%arg4 : memref<26x512xi32, #tpu.memory_space<vmem>>) target_semaphore(%run_scoped3A : memref<!tpu.dma_semaphore, #tpu.memory_space<semaphore_mem>>)
      %dma_wait3A = arith.constant 0 : i32
      %dma_wait3A_11 = tpu.memref_slice %arg2[%dma_wait3A, %mul3A_2] : memref<26x16384xi32, #tpu.memory_space<hbm>> -> memref<26x512xi32, #tpu.memory_space<hbm>>
      %dma_wait3A_12 = arith.constant 0 : i32
      %dma_wait3A_13 = tpu.memref_slice %arg2[%dma_wait3A_12, %mul3A_2] : memref<26x16384xi32, #tpu.memory_space<hbm>> -> memref<26x512xi32, #tpu.memory_space<hbm>>
      tpu.wait_dma2 semaphore(%run_scoped3A : memref<!tpu.dma_semaphore, #tpu.memory_space<semaphore_mem>>) src(%dma_wait3A_13 : memref<26x512xi32, #tpu.memory_space<hbm>>) dst(%arg4 : memref<26x512xi32, #tpu.memory_space<vmem>>)
      tpu.yield
    }) : () -> ()
    %scan3A = arith.constant 0 : i32
    %scan3A_3 = arith.constant 0 : i32
    %scan3A_4 = arith.constant 32 : i32
    %scan3A_5 = arith.addi %scan3A_3, %scan3A_4 : i32
    %scan3A_6 = arith.constant 1 : i32
    scf.for %scan3A_8 = %scan3A_3 to %scan3A_5 step %scan3A_6  : i32 {
      %mul3A_9 = arith.constant 16 : i32
      %mul3A_10 = arith.muli %scan3A_8, %mul3A_9 : i32
      %get3A = arith.constant 0 : i32
      %get3A_11 = arith.index_cast %get3A : i32 to index
      %get3A_12 = arith.index_cast %mul3A_10 : i32 to index
      %get3A_13 = tpu.vector_load %arg4[%get3A_11, %get3A_12] {strides = array<i32>} : memref<26x512xi32, #tpu.memory_space<vmem>>, vector<16xi32>,
      %add3A_14 = arith.constant 0 : i32
      %add3A_15 = vector.broadcast %add3A_14 : i32 to vector<16xi32>
      %add3A_16 = arith.addi %get3A_13, %add3A_15 : vector<16xi32>
      %mul3A_17 = arith.constant 16 : i32
      %mul3A_18 = arith.muli %scan3A_8, %mul3A_17 : i32
      %add3A_19 = arith.constant 0 : i32
      %add3A_20 = arith.addi %add3A_19, %mul3A_18 : i32
      %swap3A = arith.index_cast %add3A_20 : i32 to index
      %swap3A_21 = tpu.vector_load %arg5[%swap3A] {strides = array<i32>} : memref<13312xi32, #tpu.memory_space<vmem>>, vector<16xi32>,
      tpu.vector_store %arg5[%swap3A], %add3A_16 {strides = array<i32>} : memref<13312xi32, #tpu.memory_space<vmem>>, vector<16xi32>,
      %get3A_22 = arith.constant 1 : i32
      %get3A_23 = arith.index_cast %get3A_22 : i32 to index
      %get3A_24 = arith.index_cast %mul3A_10 : i32 to index
      %get3A_25 = tpu.vector_load %arg4[%get3A_23, %get3A_24] {strides = array<i32>} : memref<26x512xi32, #tpu.memory_space<vmem>>, vector<16xi32>,
      %add3A_26 = arith.constant 100000 : i32
      %add3A_27 = vector.broadcast %add3A_26 : i32 to vector<16xi32>
      %add3A_28 = arith.addi %get3A_25, %add3A_27 : vector<16xi32>
      %mul3A_29 = arith.constant 16 : i32
      %mul3A_30 = arith.muli %scan3A_8, %mul3A_29 : i32
      %add3A_31 = arith.constant 512 : i32
      %add3A_32 = arith.addi %add3A_31, %mul3A_30 : i32
      %swap3A_33 = arith.index_cast %add3A_32 : i32 to index
      %swap3A_34 = tpu.vector_load %arg5[%swap3A_33] {strides = array<i32>} : memref<13312xi32, #tpu.memory_space<vmem>>, vector<16xi32>,
      tpu.vector_store %arg5[%swap3A_33], %add3A_28 {strides = array<i32>} : memref<13312xi32, #tpu.memory_space<vmem>>, vector<16xi32>,
      %get3A_35 = arith.constant 2 : i32
      %get3A_36 = arith.index_cast %get3A_35 : i32 to index
      %get3A_37 = arith.index_cast %mul3A_10 : i32 to index
      %get3A_38 = tpu.vector_load %arg4[%get3A_36, %get3A_37] {strides = array<i32>} : memref<26x512xi32, #tpu.memory_space<vmem>>, vector<16xi32>,
      %add3A_39 = arith.constant 200000 : i32
      %add3A_40 = vector.broadcast %add3A_39 : i32 to vector<16xi32>
      %add3A_41 = arith.addi %get3A_38, %add3A_40 : vector<16xi32>
      %mul3A_42 = arith.constant 16 : i32
      %mul3A_43 = arith.muli %scan3A_8, %mul3A_42 : i32
      %add3A_44 = arith.constant 1024 : i32
      %add3A_45 = arith.addi %add3A_44, %mul3A_43 : i32
      %swap3A_46 = arith.index_cast %add3A_45 : i32 to index
      %swap3A_47 = tpu.vector_load %arg5[%swap3A_46] {strides = array<i32>} : memref<13312xi32, #tpu.memory_space<vmem>>, vector<16xi32>,
      tpu.vector_store %arg5[%swap3A_46], %add3A_41 {strides = array<i32>} : memref<13312xi32, #tpu.memory_space<vmem>>, vector<16xi32>,
      %get3A_48 = arith.constant 3 : i32
      %get3A_49 = arith.index_cast %get3A_48 : i32 to index
      %get3A_50 = arith.index_cast %mul3A_10 : i32 to index
      %get3A_51 = tpu.vector_load %arg4[%get3A_49, %get3A_50] {strides = array<i32>} : memref<26x512xi32, #tpu.memory_space<vmem>>, vector<16xi32>,
      %add3A_52 = arith.constant 300000 : i32
      %add3A_53 = vector.broadcast %add3A_52 : i32 to vector<16xi32>
      %add3A_54 = arith.addi %get3A_51, %add3A_53 : vector<16xi32>
      %mul3A_55 = arith.constant 16 : i32
      %mul3A_56 = arith.muli %scan3A_8, %mul3A_55 : i32
      %add3A_57 = arith.constant 1536 : i32
      %add3A_58 = arith.addi %add3A_57, %mul3A_56 : i32
      %swap3A_59 = arith.index_cast %add3A_58 : i32 to index
      %swap3A_60 = tpu.vector_load %arg5[%swap3A_59] {strides = array<i32>} : memref<13312xi32, #tpu.memory_space<vmem>>, vector<16xi32>,
      tpu.vector_store %arg5[%swap3A_59], %add3A_54 {strides = array<i32>} : memref<13312xi32, #tpu.memory_space<vmem>>, vector<16xi32>,
      %get3A_61 = arith.constant 4 : i32
      %get3A_62 = arith.index_cast %get3A_61 : i32 to index
      %get3A_63 = arith.index_cast %mul3A_10 : i32 to index
      %get3A_64 = tpu.vector_load %arg4[%get3A_62, %get3A_63] {strides = array<i32>} : memref<26x512xi32, #tpu.memory_space<vmem>>, vector<16xi32>,
      %add3A_65 = arith.constant 400000 : i32
      %add3A_66 = vector.broadcast %add3A_65 : i32 to vector<16xi32>
      %add3A_67 = arith.addi %get3A_64, %add3A_66 : vector<16xi32>
      %mul3A_68 = arith.constant 16 : i32
      %mul3A_69 = arith.muli %scan3A_8, %mul3A_68 : i32
      %add3A_70 = arith.constant 2048 : i32
      %add3A_71 = arith.addi %add3A_70, %mul3A_69 : i32
      %swap3A_72 = arith.index_cast %add3A_71 : i32 to index
      %swap3A_73 = tpu.vector_load %arg5[%swap3A_72] {strides = array<i32>} : memref<13312xi32, #tpu.memory_space<vmem>>, vector<16xi32>,
      tpu.vector_store %arg5[%swap3A_72], %add3A_67 {strides = array<i32>} : memref<13312xi32, #tpu.memory_space<vmem>>, vector<16xi32>,
      %get3A_74 = arith.constant 5 : i32
      %get3A_75 = arith.index_cast %get3A_74 : i32 to index
      %get3A_76 = arith.index_cast %mul3A_10 : i32 to index
      %get3A_77 = tpu.vector_load %arg4[%get3A_75, %get3A_76] {strides = array<i32>} : memref<26x512xi32, #tpu.memory_space<vmem>>, vector<16xi32>,
      %add3A_78 = arith.constant 500000 : i32
      %add3A_79 = vector.broadcast %add3A_78 : i32 to vector<16xi32>
      %add3A_80 = arith.addi %get3A_77, %add3A_79 : vector<16xi32>
      %mul3A_81 = arith.constant 16 : i32
      %mul3A_82 = arith.muli %scan3A_8, %mul3A_81 : i32
      %add3A_83 = arith.constant 2560 : i32
      %add3A_84 = arith.addi %add3A_83, %mul3A_82 : i32
      %swap3A_85 = arith.index_cast %add3A_84 : i32 to index
      %swap3A_86 = tpu.vector_load %arg5[%swap3A_85] {strides = array<i32>} : memref<13312xi32, #tpu.memory_space<vmem>>, vector<16xi32>,
      tpu.vector_store %arg5[%swap3A_85], %add3A_80 {strides = array<i32>} : memref<13312xi32, #tpu.memory_space<vmem>>, vector<16xi32>,
      %get3A_87 = arith.constant 6 : i32
      %get3A_88 = arith.index_cast %get3A_87 : i32 to index
      %get3A_89 = arith.index_cast %mul3A_10 : i32 to index
      %get3A_90 = tpu.vector_load %arg4[%get3A_88, %get3A_89] {strides = array<i32>} : memref<26x512xi32, #tpu.memory_space<vmem>>, vector<16xi32>,
      %add3A_91 = arith.constant 0 : i32
      %add3A_92 = vector.broadcast %add3A_91 : i32 to vector<16xi32>
      %add3A_93 = arith.addi %get3A_90, %add3A_92 : vector<16xi32>
      %mul3A_94 = arith.constant 16 : i32
      %mul3A_95 = arith.muli %scan3A_8, %mul3A_94 : i32
      %add3A_96 = arith.constant 3072 : i32
      %add3A_97 = arith.addi %add3A_96, %mul3A_95 : i32
      %swap3A_98 = arith.index_cast %add3A_97 : i32 to index
      %swap3A_99 = tpu.vector_load %arg5[%swap3A_98] {strides = array<i32>} : memref<13312xi32, #tpu.memory_space<vmem>>, vector<16xi32>,
      tpu.vector_store %arg5[%swap3A_98], %add3A_93 {strides = array<i32>} : memref<13312xi32, #tpu.memory_space<vmem>>, vector<16xi32>,
      %get3A_100 = arith.constant 7 : i32
      %get3A_101 = arith.index_cast %get3A_100 : i32 to index
      %get3A_102 = arith.index_cast %mul3A_10 : i32 to index
      %get3A_103 = tpu.vector_load %arg4[%get3A_101, %get3A_102] {strides = array<i32>} : memref<26x512xi32, #tpu.memory_space<vmem>>, vector<16xi32>,
      %add3A_104 = arith.constant 100000 : i32
      %add3A_105 = vector.broadcast %add3A_104 : i32 to vector<16xi32>
      %add3A_106 = arith.addi %get3A_103, %add3A_105 : vector<16xi32>
      %mul3A_107 = arith.constant 16 : i32
      %mul3A_108 = arith.muli %scan3A_8, %mul3A_107 : i32
      %add3A_109 = arith.constant 3584 : i32
      %add3A_110 = arith.addi %add3A_109, %mul3A_108 : i32
      %swap3A_111 = arith.index_cast %add3A_110 : i32 to index
      %swap3A_112 = tpu.vector_load %arg5[%swap3A_111] {strides = array<i32>} : memref<13312xi32, #tpu.memory_space<vmem>>, vector<16xi32>,
      tpu.vector_store %arg5[%swap3A_111], %add3A_106 {strides = array<i32>} : memref<13312xi32, #tpu.memory_space<vmem>>, vector<16xi32>,
      %get3A_113 = arith.constant 8 : i32
      %get3A_114 = arith.index_cast %get3A_113 : i32 to index
      %get3A_115 = arith.index_cast %mul3A_10 : i32 to index
      %get3A_116 = tpu.vector_load %arg4[%get3A_114, %get3A_115] {strides = array<i32>} : memref<26x512xi32, #tpu.memory_space<vmem>>, vector<16xi32>,
      %add3A_117 = arith.constant 200000 : i32
      %add3A_118 = vector.broadcast %add3A_117 : i32 to vector<16xi32>
      %add3A_119 = arith.addi %get3A_116, %add3A_118 : vector<16xi32>
      %mul3A_120 = arith.constant 16 : i32
      %mul3A_121 = arith.muli %scan3A_8, %mul3A_120 : i32
      %add3A_122 = arith.constant 4096 : i32
      %add3A_123 = arith.addi %add3A_122, %mul3A_121 : i32
      %swap3A_124 = arith.index_cast %add3A_123 : i32 to index
      %swap3A_125 = tpu.vector_load %arg5[%swap3A_124] {strides = array<i32>} : memref<13312xi32, #tpu.memory_space<vmem>>, vector<16xi32>,
      tpu.vector_store %arg5[%swap3A_124], %add3A_119 {strides = array<i32>} : memref<13312xi32, #tpu.memory_space<vmem>>, vector<16xi32>,
      %get3A_126 = arith.constant 9 : i32
      %get3A_127 = arith.index_cast %get3A_126 : i32 to index
      %get3A_128 = arith.index_cast %mul3A_10 : i32 to index
      %get3A_129 = tpu.vector_load %arg4[%get3A_127, %get3A_128] {strides = array<i32>} : memref<26x512xi32, #tpu.memory_space<vmem>>, vector<16xi32>,
      %add3A_130 = arith.constant 300000 : i32
      %add3A_131 = vector.broadcast %add3A_130 : i32 to vector<16xi32>
      %add3A_132 = arith.addi %get3A_129, %add3A_131 : vector<16xi32>
      %mul3A_133 = arith.constant 16 : i32
      %mul3A_134 = arith.muli %scan3A_8, %mul3A_133 : i32
      %add3A_135 = arith.constant 4608 : i32
      %add3A_136 = arith.addi %add3A_135, %mul3A_134 : i32
      %swap3A_137 = arith.index_cast %add3A_136 : i32 to index
      %swap3A_138 = tpu.vector_load %arg5[%swap3A_137] {strides = array<i32>} : memref<13312xi32, #tpu.memory_space<vmem>>, vector<16xi32>,
      tpu.vector_store %arg5[%swap3A_137], %add3A_132 {strides = array<i32>} : memref<13312xi32, #tpu.memory_space<vmem>>, vector<16xi32>,
      %get3A_139 = arith.constant 10 : i32
      %get3A_140 = arith.index_cast %get3A_139 : i32 to index
      %get3A_141 = arith.index_cast %mul3A_10 : i32 to index
      %get3A_142 = tpu.vector_load %arg4[%get3A_140, %get3A_141] {strides = array<i32>} : memref<26x512xi32, #tpu.memory_space<vmem>>, vector<16xi32>,
      %add3A_143 = arith.constant 400000 : i32
      %add3A_144 = vector.broadcast %add3A_143 : i32 to vector<16xi32>
      %add3A_145 = arith.addi %get3A_142, %add3A_144 : vector<16xi32>
      %mul3A_146 = arith.constant 16 : i32
      %mul3A_147 = arith.muli %scan3A_8, %mul3A_146 : i32
      %add3A_148 = arith.constant 5120 : i32
      %add3A_149 = arith.addi %add3A_148, %mul3A_147 : i32
      %swap3A_150 = arith.index_cast %add3A_149 : i32 to index
      %swap3A_151 = tpu.vector_load %arg5[%swap3A_150] {strides = array<i32>} : memref<13312xi32, #tpu.memory_space<vmem>>, vector<16xi32>,
      tpu.vector_store %arg5[%swap3A_150], %add3A_145 {strides = array<i32>} : memref<13312xi32, #tpu.memory_space<vmem>>, vector<16xi32>,
      %get3A_152 = arith.constant 11 : i32
      %get3A_153 = arith.index_cast %get3A_152 : i32 to index
      %get3A_154 = arith.index_cast %mul3A_10 : i32 to index
      %get3A_155 = tpu.vector_load %arg4[%get3A_153, %get3A_154] {strides = array<i32>} : memref<26x512xi32, #tpu.memory_space<vmem>>, vector<16xi32>,
      %add3A_156 = arith.constant 500000 : i32
      %add3A_157 = vector.broadcast %add3A_156 : i32 to vector<16xi32>
      %add3A_158 = arith.addi %get3A_155, %add3A_157 : vector<16xi32>
      %mul3A_159 = arith.constant 16 : i32
      %mul3A_160 = arith.muli %scan3A_8, %mul3A_159 : i32
      %add3A_161 = arith.constant 5632 : i32
      %add3A_162 = arith.addi %add3A_161, %mul3A_160 : i32
      %swap3A_163 = arith.index_cast %add3A_162 : i32 to index
      %swap3A_164 = tpu.vector_load %arg5[%swap3A_163] {strides = array<i32>} : memref<13312xi32, #tpu.memory_space<vmem>>, vector<16xi32>,
      tpu.vector_store %arg5[%swap3A_163], %add3A_158 {strides = array<i32>} : memref<13312xi32, #tpu.memory_space<vmem>>, vector<16xi32>,
      %get3A_165 = arith.constant 12 : i32
      %get3A_166 = arith.index_cast %get3A_165 : i32 to index
      %get3A_167 = arith.index_cast %mul3A_10 : i32 to index
      %get3A_168 = tpu.vector_load %arg4[%get3A_166, %get3A_167] {strides = array<i32>} : memref<26x512xi32, #tpu.memory_space<vmem>>, vector<16xi32>,
      %add3A_169 = arith.constant 0 : i32
      %add3A_170 = vector.broadcast %add3A_169 : i32 to vector<16xi32>
      %add3A_171 = arith.addi %get3A_168, %add3A_170 : vector<16xi32>
      %mul3A_172 = arith.constant 16 : i32
      %mul3A_173 = arith.muli %scan3A_8, %mul3A_172 : i32
      %add3A_174 = arith.constant 6144 : i32
      %add3A_175 = arith.addi %add3A_174, %mul3A_173 : i32
      %swap3A_176 = arith.index_cast %add3A_175 : i32 to index
      %swap3A_177 = tpu.vector_load %arg5[%swap3A_176] {strides = array<i32>} : memref<13312xi32, #tpu.memory_space<vmem>>, vector<16xi32>,
      tpu.vector_store %arg5[%swap3A_176], %add3A_171 {strides = array<i32>} : memref<13312xi32, #tpu.memory_space<vmem>>, vector<16xi32>,
      %get3A_178 = arith.constant 13 : i32
      %get3A_179 = arith.index_cast %get3A_178 : i32 to index
      %get3A_180 = arith.index_cast %mul3A_10 : i32 to index
      %get3A_181 = tpu.vector_load %arg4[%get3A_179, %get3A_180] {strides = array<i32>} : memref<26x512xi32, #tpu.memory_space<vmem>>, vector<16xi32>,
      %add3A_182 = arith.constant 100000 : i32
      %add3A_183 = vector.broadcast %add3A_182 : i32 to vector<16xi32>
      %add3A_184 = arith.addi %get3A_181, %add3A_183 : vector<16xi32>
      %mul3A_185 = arith.constant 16 : i32
      %mul3A_186 = arith.muli %scan3A_8, %mul3A_185 : i32
      %add3A_187 = arith.constant 6656 : i32
      %add3A_188 = arith.addi %add3A_187, %mul3A_186 : i32
      %swap3A_189 = arith.index_cast %add3A_188 : i32 to index
      %swap3A_190 = tpu.vector_load %arg5[%swap3A_189] {strides = array<i32>} : memref<13312xi32, #tpu.memory_space<vmem>>, vector<16xi32>,
      tpu.vector_store %arg5[%swap3A_189], %add3A_184 {strides = array<i32>} : memref<13312xi32, #tpu.memory_space<vmem>>, vector<16xi32>,
      %get3A_191 = arith.constant 14 : i32
      %get3A_192 = arith.index_cast %get3A_191 : i32 to index
      %get3A_193 = arith.index_cast %mul3A_10 : i32 to index
      %get3A_194 = tpu.vector_load %arg4[%get3A_192, %get3A_193] {strides = array<i32>} : memref<26x512xi32, #tpu.memory_space<vmem>>, vector<16xi32>,
      %add3A_195 = arith.constant 200000 : i32
      %add3A_196 = vector.broadcast %add3A_195 : i32 to vector<16xi32>
      %add3A_197 = arith.addi %get3A_194, %add3A_196 : vector<16xi32>
      %mul3A_198 = arith.constant 16 : i32
      %mul3A_199 = arith.muli %scan3A_8, %mul3A_198 : i32
      %add3A_200 = arith.constant 7168 : i32
      %add3A_201 = arith.addi %add3A_200, %mul3A_199 : i32
      %swap3A_202 = arith.index_cast %add3A_201 : i32 to index
      %swap3A_203 = tpu.vector_load %arg5[%swap3A_202] {strides = array<i32>} : memref<13312xi32, #tpu.memory_space<vmem>>, vector<16xi32>,
      tpu.vector_store %arg5[%swap3A_202], %add3A_197 {strides = array<i32>} : memref<13312xi32, #tpu.memory_space<vmem>>, vector<16xi32>,
      %get3A_204 = arith.constant 15 : i32
      %get3A_205 = arith.index_cast %get3A_204 : i32 to index
      %get3A_206 = arith.index_cast %mul3A_10 : i32 to index
      %get3A_207 = tpu.vector_load %arg4[%get3A_205, %get3A_206] {strides = array<i32>} : memref<26x512xi32, #tpu.memory_space<vmem>>, vector<16xi32>,
      %add3A_208 = arith.constant 300000 : i32
      %add3A_209 = vector.broadcast %add3A_208 : i32 to vector<16xi32>
      %add3A_210 = arith.addi %get3A_207, %add3A_209 : vector<16xi32>
      %mul3A_211 = arith.constant 16 : i32
      %mul3A_212 = arith.muli %scan3A_8, %mul3A_211 : i32
      %add3A_213 = arith.constant 7680 : i32
      %add3A_214 = arith.addi %add3A_213, %mul3A_212 : i32
      %swap3A_215 = arith.index_cast %add3A_214 : i32 to index
      %swap3A_216 = tpu.vector_load %arg5[%swap3A_215] {strides = array<i32>} : memref<13312xi32, #tpu.memory_space<vmem>>, vector<16xi32>,
      tpu.vector_store %arg5[%swap3A_215], %add3A_210 {strides = array<i32>} : memref<13312xi32, #tpu.memory_space<vmem>>, vector<16xi32>,
      %get3A_217 = arith.constant 16 : i32
      %get3A_218 = arith.index_cast %get3A_217 : i32 to index
      %get3A_219 = arith.index_cast %mul3A_10 : i32 to index
      %get3A_220 = tpu.vector_load %arg4[%get3A_218, %get3A_219] {strides = array<i32>} : memref<26x512xi32, #tpu.memory_space<vmem>>, vector<16xi32>,
      %add3A_221 = arith.constant 400000 : i32
      %add3A_222 = vector.broadcast %add3A_221 : i32 to vector<16xi32>
      %add3A_223 = arith.addi %get3A_220, %add3A_222 : vector<16xi32>
      %mul3A_224 = arith.constant 16 : i32
      %mul3A_225 = arith.muli %scan3A_8, %mul3A_224 : i32
      %add3A_226 = arith.constant 8192 : i32
      %add3A_227 = arith.addi %add3A_226, %mul3A_225 : i32
      %swap3A_228 = arith.index_cast %add3A_227 : i32 to index
      %swap3A_229 = tpu.vector_load %arg5[%swap3A_228] {strides = array<i32>} : memref<13312xi32, #tpu.memory_space<vmem>>, vector<16xi32>,
      tpu.vector_store %arg5[%swap3A_228], %add3A_223 {strides = array<i32>} : memref<13312xi32, #tpu.memory_space<vmem>>, vector<16xi32>,
      %get3A_230 = arith.constant 17 : i32
      %get3A_231 = arith.index_cast %get3A_230 : i32 to index
      %get3A_232 = arith.index_cast %mul3A_10 : i32 to index
      %get3A_233 = tpu.vector_load %arg4[%get3A_231, %get3A_232] {strides = array<i32>} : memref<26x512xi32, #tpu.memory_space<vmem>>, vector<16xi32>,
      %add3A_234 = arith.constant 500000 : i32
      %add3A_235 = vector.broadcast %add3A_234 : i32 to vector<16xi32>
      %add3A_236 = arith.addi %get3A_233, %add3A_235 : vector<16xi32>
      %mul3A_237 = arith.constant 16 : i32
      %mul3A_238 = arith.muli %scan3A_8, %mul3A_237 : i32
      %add3A_239 = arith.constant 8704 : i32
      %add3A_240 = arith.addi %add3A_239, %mul3A_238 : i32
      %swap3A_241 = arith.index_cast %add3A_240 : i32 to index
      %swap3A_242 = tpu.vector_load %arg5[%swap3A_241] {strides = array<i32>} : memref<13312xi32, #tpu.memory_space<vmem>>, vector<16xi32>,
      tpu.vector_store %arg5[%swap3A_241], %add3A_236 {strides = array<i32>} : memref<13312xi32, #tpu.memory_space<vmem>>, vector<16xi32>,
      %get3A_243 = arith.constant 18 : i32
      %get3A_244 = arith.index_cast %get3A_243 : i32 to index
      %get3A_245 = arith.index_cast %mul3A_10 : i32 to index
      %get3A_246 = tpu.vector_load %arg4[%get3A_244, %get3A_245] {strides = array<i32>} : memref<26x512xi32, #tpu.memory_space<vmem>>, vector<16xi32>,
      %add3A_247 = arith.constant 600000 : i32
      %add3A_248 = vector.broadcast %add3A_247 : i32 to vector<16xi32>
      %add3A_249 = arith.addi %get3A_246, %add3A_248 : vector<16xi32>
      %mul3A_250 = arith.constant 16 : i32
      %mul3A_251 = arith.muli %scan3A_8, %mul3A_250 : i32
      %add3A_252 = arith.constant 9216 : i32
      %add3A_253 = arith.addi %add3A_252, %mul3A_251 : i32
      %swap3A_254 = arith.index_cast %add3A_253 : i32 to index
      %swap3A_255 = tpu.vector_load %arg5[%swap3A_254] {strides = array<i32>} : memref<13312xi32, #tpu.memory_space<vmem>>, vector<16xi32>,
      tpu.vector_store %arg5[%swap3A_254], %add3A_249 {strides = array<i32>} : memref<13312xi32, #tpu.memory_space<vmem>>, vector<16xi32>,
      %get3A_256 = arith.constant 19 : i32
      %get3A_257 = arith.index_cast %get3A_256 : i32 to index
      %get3A_258 = arith.index_cast %mul3A_10 : i32 to index
      %get3A_259 = tpu.vector_load %arg4[%get3A_257, %get3A_258] {strides = array<i32>} : memref<26x512xi32, #tpu.memory_space<vmem>>, vector<16xi32>,
      %add3A_260 = arith.constant 0 : i32
      %add3A_261 = vector.broadcast %add3A_260 : i32 to vector<16xi32>
      %add3A_262 = arith.addi %get3A_259, %add3A_261 : vector<16xi32>
      %mul3A_263 = arith.constant 16 : i32
      %mul3A_264 = arith.muli %scan3A_8, %mul3A_263 : i32
      %add3A_265 = arith.constant 9728 : i32
      %add3A_266 = arith.addi %add3A_265, %mul3A_264 : i32
      %swap3A_267 = arith.index_cast %add3A_266 : i32 to index
      %swap3A_268 = tpu.vector_load %arg5[%swap3A_267] {strides = array<i32>} : memref<13312xi32, #tpu.memory_space<vmem>>, vector<16xi32>,
      tpu.vector_store %arg5[%swap3A_267], %add3A_262 {strides = array<i32>} : memref<13312xi32, #tpu.memory_space<vmem>>, vector<16xi32>,
      %get3A_269 = arith.constant 20 : i32
      %get3A_270 = arith.index_cast %get3A_269 : i32 to index
      %get3A_271 = arith.index_cast %mul3A_10 : i32 to index
      %get3A_272 = tpu.vector_load %arg4[%get3A_270, %get3A_271] {strides = array<i32>} : memref<26x512xi32, #tpu.memory_space<vmem>>, vector<16xi32>,
      %add3A_273 = arith.constant 100000 : i32
      %add3A_274 = vector.broadcast %add3A_273 : i32 to vector<16xi32>
      %add3A_275 = arith.addi %get3A_272, %add3A_274 : vector<16xi32>
      %mul3A_276 = arith.constant 16 : i32
      %mul3A_277 = arith.muli %scan3A_8, %mul3A_276 : i32
      %add3A_278 = arith.constant 10240 : i32
      %add3A_279 = arith.addi %add3A_278, %mul3A_277 : i32
      %swap3A_280 = arith.index_cast %add3A_279 : i32 to index
      %swap3A_281 = tpu.vector_load %arg5[%swap3A_280] {strides = array<i32>} : memref<13312xi32, #tpu.memory_space<vmem>>, vector<16xi32>,
      tpu.vector_store %arg5[%swap3A_280], %add3A_275 {strides = array<i32>} : memref<13312xi32, #tpu.memory_space<vmem>>, vector<16xi32>,
      %get3A_282 = arith.constant 21 : i32
      %get3A_283 = arith.index_cast %get3A_282 : i32 to index
      %get3A_284 = arith.index_cast %mul3A_10 : i32 to index
      %get3A_285 = tpu.vector_load %arg4[%get3A_283, %get3A_284] {strides = array<i32>} : memref<26x512xi32, #tpu.memory_space<vmem>>, vector<16xi32>,
      %add3A_286 = arith.constant 200000 : i32
      %add3A_287 = vector.broadcast %add3A_286 : i32 to vector<16xi32>
      %add3A_288 = arith.addi %get3A_285, %add3A_287 : vector<16xi32>
      %mul3A_289 = arith.constant 16 : i32
      %mul3A_290 = arith.muli %scan3A_8, %mul3A_289 : i32
      %add3A_291 = arith.constant 10752 : i32
      %add3A_292 = arith.addi %add3A_291, %mul3A_290 : i32
      %swap3A_293 = arith.index_cast %add3A_292 : i32 to index
      %swap3A_294 = tpu.vector_load %arg5[%swap3A_293] {strides = array<i32>} : memref<13312xi32, #tpu.memory_space<vmem>>, vector<16xi32>,
      tpu.vector_store %arg5[%swap3A_293], %add3A_288 {strides = array<i32>} : memref<13312xi32, #tpu.memory_space<vmem>>, vector<16xi32>,
      %get3A_295 = arith.constant 22 : i32
      %get3A_296 = arith.index_cast %get3A_295 : i32 to index
      %get3A_297 = arith.index_cast %mul3A_10 : i32 to index
      %get3A_298 = tpu.vector_load %arg4[%get3A_296, %get3A_297] {strides = array<i32>} : memref<26x512xi32, #tpu.memory_space<vmem>>, vector<16xi32>,
      %add3A_299 = arith.constant 300000 : i32
      %add3A_300 = vector.broadcast %add3A_299 : i32 to vector<16xi32>
      %add3A_301 = arith.addi %get3A_298, %add3A_300 : vector<16xi32>
      %mul3A_302 = arith.constant 16 : i32
      %mul3A_303 = arith.muli %scan3A_8, %mul3A_302 : i32
      %add3A_304 = arith.constant 11264 : i32
      %add3A_305 = arith.addi %add3A_304, %mul3A_303 : i32
      %swap3A_306 = arith.index_cast %add3A_305 : i32 to index
      %swap3A_307 = tpu.vector_load %arg5[%swap3A_306] {strides = array<i32>} : memref<13312xi32, #tpu.memory_space<vmem>>, vector<16xi32>,
      tpu.vector_store %arg5[%swap3A_306], %add3A_301 {strides = array<i32>} : memref<13312xi32, #tpu.memory_space<vmem>>, vector<16xi32>,
      %get3A_308 = arith.constant 23 : i32
      %get3A_309 = arith.index_cast %get3A_308 : i32 to index
      %get3A_310 = arith.index_cast %mul3A_10 : i32 to index
      %get3A_311 = tpu.vector_load %arg4[%get3A_309, %get3A_310] {strides = array<i32>} : memref<26x512xi32, #tpu.memory_space<vmem>>, vector<16xi32>,
      %add3A_312 = arith.constant 400000 : i32
      %add3A_313 = vector.broadcast %add3A_312 : i32 to vector<16xi32>
      %add3A_314 = arith.addi %get3A_311, %add3A_313 : vector<16xi32>
      %mul3A_315 = arith.constant 16 : i32
      %mul3A_316 = arith.muli %scan3A_8, %mul3A_315 : i32
      %add3A_317 = arith.constant 11776 : i32
      %add3A_318 = arith.addi %add3A_317, %mul3A_316 : i32
      %swap3A_319 = arith.index_cast %add3A_318 : i32 to index
      %swap3A_320 = tpu.vector_load %arg5[%swap3A_319] {strides = array<i32>} : memref<13312xi32, #tpu.memory_space<vmem>>, vector<16xi32>,
      tpu.vector_store %arg5[%swap3A_319], %add3A_314 {strides = array<i32>} : memref<13312xi32, #tpu.memory_space<vmem>>, vector<16xi32>,
      %get3A_321 = arith.constant 24 : i32
      %get3A_322 = arith.index_cast %get3A_321 : i32 to index
      %get3A_323 = arith.index_cast %mul3A_10 : i32 to index
      %get3A_324 = tpu.vector_load %arg4[%get3A_322, %get3A_323] {strides = array<i32>} : memref<26x512xi32, #tpu.memory_space<vmem>>, vector<16xi32>,
      %add3A_325 = arith.constant 500000 : i32
      %add3A_326 = vector.broadcast %add3A_325 : i32 to vector<16xi32>
      %add3A_327 = arith.addi %get3A_324, %add3A_326 : vector<16xi32>
      %mul3A_328 = arith.constant 16 : i32
      %mul3A_329 = arith.muli %scan3A_8, %mul3A_328 : i32
      %add3A_330 = arith.constant 12288 : i32
      %add3A_331 = arith.addi %add3A_330, %mul3A_329 : i32
      %swap3A_332 = arith.index_cast %add3A_331 : i32 to index
      %swap3A_333 = tpu.vector_load %arg5[%swap3A_332] {strides = array<i32>} : memref<13312xi32, #tpu.memory_space<vmem>>, vector<16xi32>,
      tpu.vector_store %arg5[%swap3A_332], %add3A_327 {strides = array<i32>} : memref<13312xi32, #tpu.memory_space<vmem>>, vector<16xi32>,
      %get3A_334 = arith.constant 25 : i32
      %get3A_335 = arith.index_cast %get3A_334 : i32 to index
      %get3A_336 = arith.index_cast %mul3A_10 : i32 to index
      %get3A_337 = tpu.vector_load %arg4[%get3A_335, %get3A_336] {strides = array<i32>} : memref<26x512xi32, #tpu.memory_space<vmem>>, vector<16xi32>,
      %add3A_338 = arith.constant 600000 : i32
      %add3A_339 = vector.broadcast %add3A_338 : i32 to vector<16xi32>
      %add3A_340 = arith.addi %get3A_337, %add3A_339 : vector<16xi32>
      %mul3A_341 = arith.constant 16 : i32
      %mul3A_342 = arith.muli %scan3A_8, %mul3A_341 : i32
      %add3A_343 = arith.constant 12800 : i32
      %add3A_344 = arith.addi %add3A_343, %mul3A_342 : i32
      %swap3A_345 = arith.index_cast %add3A_344 : i32 to index
      %swap3A_346 = tpu.vector_load %arg5[%swap3A_345] {strides = array<i32>} : memref<13312xi32, #tpu.memory_space<vmem>>, vector<16xi32>,
      tpu.vector_store %arg5[%swap3A_345], %add3A_340 {strides = array<i32>} : memref<13312xi32, #tpu.memory_space<vmem>>, vector<16xi32>,
    }
    %scan3A_7 = arith.constant 32 : i32
    "tpu.region"() ({
      %run_scoped3A = tpu.sem_alloc : memref<!tpu.dma_semaphore, #tpu.memory_space<semaphore_mem>>
      %dma_start3A = arith.constant 0 : i32
      %dma_start3A_8 = tpu.memref_slice %arg3[%add3A, %dma_start3A] : memref<32x13312xi32, #tpu.memory_space<hbm>> -> memref<1x13312xi32, #tpu.memory_space<hbm>>
      %dma_start3A_9 = tpu.memref_squeeze %dma_start3A_8 : memref<1x13312xi32, #tpu.memory_space<hbm>> -> memref<13312xi32, #tpu.memory_space<hbm>>
      %dma_start3A_10 = arith.constant 0 : i32
      %dma_start3A_11 = tpu.memref_slice %arg3[%add3A, %dma_start3A_10] : memref<32x13312xi32, #tpu.memory_space<hbm>> -> memref<1x13312xi32, #tpu.memory_space<hbm>>
      %dma_start3A_12 = tpu.memref_squeeze %dma_start3A_11 : memref<1x13312xi32, #tpu.memory_space<hbm>> -> memref<13312xi32, #tpu.memory_space<hbm>>
      tpu.enqueue_dma source(%arg5 : memref<13312xi32, #tpu.memory_space<vmem>>) target(%dma_start3A_12 : memref<13312xi32, #tpu.memory_space<hbm>>) target_semaphore(%run_scoped3A : memref<!tpu.dma_semaphore, #tpu.memory_space<semaphore_mem>>)
      %dma_wait3A = arith.constant 0 : i32
      %dma_wait3A_13 = tpu.memref_slice %arg3[%add3A, %dma_wait3A] : memref<32x13312xi32, #tpu.memory_space<hbm>> -> memref<1x13312xi32, #tpu.memory_space<hbm>>
      %dma_wait3A_14 = tpu.memref_squeeze %dma_wait3A_13 : memref<1x13312xi32, #tpu.memory_space<hbm>> -> memref<13312xi32, #tpu.memory_space<hbm>>
      %dma_wait3A_15 = arith.constant 0 : i32
      %dma_wait3A_16 = tpu.memref_slice %arg3[%add3A, %dma_wait3A_15] : memref<32x13312xi32, #tpu.memory_space<hbm>> -> memref<1x13312xi32, #tpu.memory_space<hbm>>
      %dma_wait3A_17 = tpu.memref_squeeze %dma_wait3A_16 : memref<1x13312xi32, #tpu.memory_space<hbm>> -> memref<13312xi32, #tpu.memory_space<hbm>>
      tpu.wait_dma2 semaphore(%run_scoped3A : memref<!tpu.dma_semaphore, #tpu.memory_space<semaphore_mem>>) src(%arg5 : memref<13312xi32, #tpu.memory_space<vmem>>) dst(%dma_wait3A_17 : memref<13312xi32, #tpu.memory_space<hbm>>)
      tpu.yield
    }) : () -> ()
    return
  }
}

#map = affine_map<(d0, d1) -> (0, 0)>
#map1 = affine_map<(d0, d1) -> (0)>
module attributes {stable_mosaic.version = 14 : i64} {
  func.func @_k2(%arg0: i32, %arg1: i32, %arg2: memref<32x13312xi32, #tpu.memory_space<hbm>>, %arg3: memref<700000xf32, #tpu.memory_space<hbm>>, %arg4: memref<16384xf32, #tpu.memory_space<hbm>>, %arg5: memref<16384xf32, #tpu.memory_space<hbm>>, %arg6: memref<3584xi32, #tpu.memory_space<vmem>>, %arg7: memref<3584xf32, #tpu.memory_space<vmem>>, %arg8: memref<512xf32, #tpu.memory_space<vmem>>, %arg9: memref<!tpu.dma_semaphore, #tpu.memory_space<semaphore_mem>>) attributes {dimension_semantics = [#tpu.dimension_semantics<core_parallel>, #tpu.dimension_semantics<subcore_parallel>], iteration_bounds = array<i64: 2, 16>, scalar_prefetch = 0 : i64, scratch_operands = 4 : i64, tpu.core_type = #tpu.core_type<sc_vector_subcore>, window_params = [{transform_indices = #map}, {transform_indices = #map1}, {transform_indices = #map1}, {transform_indices = #map1}]} {
    %mul3A = arith.constant 2 : i32
    %mul3A_0 = arith.muli %arg1, %mul3A : i32
    %add3A = arith.addi %mul3A_0, %arg0 : i32
    %mul3A_1 = arith.constant 512 : i32
    %mul3A_2 = arith.muli %add3A, %mul3A_1 : i32
    "tpu.region"() ({
      %run_scoped3A = tpu.sem_alloc : memref<!tpu.dma_semaphore, #tpu.memory_space<semaphore_mem>>
      %dma_start3A_10 = arith.constant 6144 : i32
      %dma_start3A_11 = tpu.memref_slice %arg2[%add3A, %dma_start3A_10] : memref<32x13312xi32, #tpu.memory_space<hbm>> -> memref<1x3584xi32, #tpu.memory_space<hbm>>
      %dma_start3A_12 = tpu.memref_squeeze %dma_start3A_11 : memref<1x3584xi32, #tpu.memory_space<hbm>> -> memref<3584xi32, #tpu.memory_space<hbm>>
      %dma_start3A_13 = arith.constant 6144 : i32
      %dma_start3A_14 = tpu.memref_slice %arg2[%add3A, %dma_start3A_13] : memref<32x13312xi32, #tpu.memory_space<hbm>> -> memref<1x3584xi32, #tpu.memory_space<hbm>>
      %dma_start3A_15 = tpu.memref_squeeze %dma_start3A_14 : memref<1x3584xi32, #tpu.memory_space<hbm>> -> memref<3584xi32, #tpu.memory_space<hbm>>
      tpu.enqueue_dma source(%dma_start3A_15 : memref<3584xi32, #tpu.memory_space<hbm>>) target(%arg6 : memref<3584xi32, #tpu.memory_space<vmem>>) target_semaphore(%run_scoped3A : memref<!tpu.dma_semaphore, #tpu.memory_space<semaphore_mem>>)
      %dma_wait3A_16 = arith.constant 6144 : i32
      %dma_wait3A_17 = tpu.memref_slice %arg2[%add3A, %dma_wait3A_16] : memref<32x13312xi32, #tpu.memory_space<hbm>> -> memref<1x3584xi32, #tpu.memory_space<hbm>>
      %dma_wait3A_18 = tpu.memref_squeeze %dma_wait3A_17 : memref<1x3584xi32, #tpu.memory_space<hbm>> -> memref<3584xi32, #tpu.memory_space<hbm>>
      %dma_wait3A_19 = arith.constant 6144 : i32
      %dma_wait3A_20 = tpu.memref_slice %arg2[%add3A, %dma_wait3A_19] : memref<32x13312xi32, #tpu.memory_space<hbm>> -> memref<1x3584xi32, #tpu.memory_space<hbm>>
      %dma_wait3A_21 = tpu.memref_squeeze %dma_wait3A_20 : memref<1x3584xi32, #tpu.memory_space<hbm>> -> memref<3584xi32, #tpu.memory_space<hbm>>
      tpu.wait_dma2 semaphore(%run_scoped3A : memref<!tpu.dma_semaphore, #tpu.memory_space<semaphore_mem>>) src(%dma_wait3A_21 : memref<3584xi32, #tpu.memory_space<hbm>>) dst(%arg6 : memref<3584xi32, #tpu.memory_space<vmem>>)
      tpu.yield
    }) : () -> ()
    "tpu.region"() ({
      %run_scoped3A = tpu.sem_alloc : memref<!tpu.dma_semaphore, #tpu.memory_space<semaphore_mem>>
      %dma_start3A_10 = tpu.memref_slice %arg4[%mul3A_2] : memref<16384xf32, #tpu.memory_space<hbm>> -> memref<512xf32, #tpu.memory_space<hbm>>
      %dma_start3A_11 = tpu.memref_slice %arg4[%mul3A_2] : memref<16384xf32, #tpu.memory_space<hbm>> -> memref<512xf32, #tpu.memory_space<hbm>>
      tpu.enqueue_dma source(%dma_start3A_11 : memref<512xf32, #tpu.memory_space<hbm>>) target(%arg8 : memref<512xf32, #tpu.memory_space<vmem>>) target_semaphore(%run_scoped3A : memref<!tpu.dma_semaphore, #tpu.memory_space<semaphore_mem>>)
      %dma_wait3A_12 = tpu.memref_slice %arg4[%mul3A_2] : memref<16384xf32, #tpu.memory_space<hbm>> -> memref<512xf32, #tpu.memory_space<hbm>>
      %dma_wait3A_13 = tpu.memref_slice %arg4[%mul3A_2] : memref<16384xf32, #tpu.memory_space<hbm>> -> memref<512xf32, #tpu.memory_space<hbm>>
      tpu.wait_dma2 semaphore(%run_scoped3A : memref<!tpu.dma_semaphore, #tpu.memory_space<semaphore_mem>>) src(%dma_wait3A_13 : memref<512xf32, #tpu.memory_space<hbm>>) dst(%arg8 : memref<512xf32, #tpu.memory_space<vmem>>)
      tpu.yield
    }) : () -> ()
    %dma_start3A = arith.constant 0 : i32
    %dma_start3A_3 = tpu.memref_slice %arg3[%dma_start3A] : memref<700000xf32, #tpu.memory_space<hbm>> -> memref<700000xf32, #tpu.memory_space<hbm>>
    tpu.enqueue_indirect_dma source(%dma_start3A_3 : memref<700000xf32, #tpu.memory_space<hbm>>) target(%arg7 : memref<3584xf32, #tpu.memory_space<vmem>>) offsets(%arg6 : memref<3584xi32, #tpu.memory_space<vmem>>) semaphore(%arg9 : memref<!tpu.dma_semaphore, #tpu.memory_space<semaphore_mem>>)
    %dma_wait3A = arith.constant 0 : i32
    %dma_wait3A_4 = tpu.memref_slice %arg3[%dma_wait3A] : memref<700000xf32, #tpu.memory_space<hbm>> -> memref<700000xf32, #tpu.memory_space<hbm>>
    tpu.wait_indirect_dma semaphore(%arg9 : memref<!tpu.dma_semaphore, #tpu.memory_space<semaphore_mem>>) src(%dma_wait3A_4 : memref<700000xf32, #tpu.memory_space<hbm>>) dst(%arg7 : memref<3584xf32, #tpu.memory_space<vmem>>)
    %scan3A = arith.constant 0 : i32
    %scan3A_5 = arith.constant 0 : i32
    %scan3A_6 = arith.constant 32 : i32
    %scan3A_7 = arith.addi %scan3A_5, %scan3A_6 : i32
    %scan3A_8 = arith.constant 1 : i32
    scf.for %scan3A_10 = %scan3A_5 to %scan3A_7 step %scan3A_8  : i32 {
      %mul3A_11 = arith.constant 16 : i32
      %mul3A_12 = arith.muli %scan3A_10, %mul3A_11 : i32
      %get3A = arith.index_cast %mul3A_12 : i32 to index
      %get3A_13 = tpu.vector_load %arg8[%get3A] {strides = array<i32>} : memref<512xf32, #tpu.memory_space<vmem>>, vector<16xf32>,
      %mul3A_14 = arith.constant 16 : i32
      %mul3A_15 = arith.muli %scan3A_10, %mul3A_14 : i32
      %add3A_16 = arith.constant 0 : i32
      %add3A_17 = arith.addi %add3A_16, %mul3A_15 : i32
      %get3A_18 = arith.index_cast %add3A_17 : i32 to index
      %get3A_19 = tpu.vector_load %arg7[%get3A_18] {strides = array<i32>} : memref<3584xf32, #tpu.memory_space<vmem>>, vector<16xf32>,
      %add3A_20 = arith.addf %get3A_13, %get3A_19 : vector<16xf32>
      %mul3A_21 = arith.constant 16 : i32
      %mul3A_22 = arith.muli %scan3A_10, %mul3A_21 : i32
      %add3A_23 = arith.constant 512 : i32
      %add3A_24 = arith.addi %add3A_23, %mul3A_22 : i32
      %get3A_25 = arith.index_cast %add3A_24 : i32 to index
      %get3A_26 = tpu.vector_load %arg7[%get3A_25] {strides = array<i32>} : memref<3584xf32, #tpu.memory_space<vmem>>, vector<16xf32>,
      %add3A_27 = arith.addf %add3A_20, %get3A_26 : vector<16xf32>
      %mul3A_28 = arith.constant 16 : i32
      %mul3A_29 = arith.muli %scan3A_10, %mul3A_28 : i32
      %add3A_30 = arith.constant 1024 : i32
      %add3A_31 = arith.addi %add3A_30, %mul3A_29 : i32
      %get3A_32 = arith.index_cast %add3A_31 : i32 to index
      %get3A_33 = tpu.vector_load %arg7[%get3A_32] {strides = array<i32>} : memref<3584xf32, #tpu.memory_space<vmem>>, vector<16xf32>,
      %add3A_34 = arith.addf %add3A_27, %get3A_33 : vector<16xf32>
      %mul3A_35 = arith.constant 16 : i32
      %mul3A_36 = arith.muli %scan3A_10, %mul3A_35 : i32
      %add3A_37 = arith.constant 1536 : i32
      %add3A_38 = arith.addi %add3A_37, %mul3A_36 : i32
      %get3A_39 = arith.index_cast %add3A_38 : i32 to index
      %get3A_40 = tpu.vector_load %arg7[%get3A_39] {strides = array<i32>} : memref<3584xf32, #tpu.memory_space<vmem>>, vector<16xf32>,
      %add3A_41 = arith.addf %add3A_34, %get3A_40 : vector<16xf32>
      %mul3A_42 = arith.constant 16 : i32
      %mul3A_43 = arith.muli %scan3A_10, %mul3A_42 : i32
      %add3A_44 = arith.constant 2048 : i32
      %add3A_45 = arith.addi %add3A_44, %mul3A_43 : i32
      %get3A_46 = arith.index_cast %add3A_45 : i32 to index
      %get3A_47 = tpu.vector_load %arg7[%get3A_46] {strides = array<i32>} : memref<3584xf32, #tpu.memory_space<vmem>>, vector<16xf32>,
      %add3A_48 = arith.addf %add3A_41, %get3A_47 : vector<16xf32>
      %mul3A_49 = arith.constant 16 : i32
      %mul3A_50 = arith.muli %scan3A_10, %mul3A_49 : i32
      %add3A_51 = arith.constant 2560 : i32
      %add3A_52 = arith.addi %add3A_51, %mul3A_50 : i32
      %get3A_53 = arith.index_cast %add3A_52 : i32 to index
      %get3A_54 = tpu.vector_load %arg7[%get3A_53] {strides = array<i32>} : memref<3584xf32, #tpu.memory_space<vmem>>, vector<16xf32>,
      %add3A_55 = arith.addf %add3A_48, %get3A_54 : vector<16xf32>
      %mul3A_56 = arith.constant 16 : i32
      %mul3A_57 = arith.muli %scan3A_10, %mul3A_56 : i32
      %add3A_58 = arith.constant 3072 : i32
      %add3A_59 = arith.addi %add3A_58, %mul3A_57 : i32
      %get3A_60 = arith.index_cast %add3A_59 : i32 to index
      %get3A_61 = tpu.vector_load %arg7[%get3A_60] {strides = array<i32>} : memref<3584xf32, #tpu.memory_space<vmem>>, vector<16xf32>,
      %add3A_62 = arith.addf %add3A_55, %get3A_61 : vector<16xf32>
      %swap3A = arith.index_cast %mul3A_12 : i32 to index
      %swap3A_63 = tpu.vector_load %arg8[%swap3A] {strides = array<i32>} : memref<512xf32, #tpu.memory_space<vmem>>, vector<16xf32>,
      tpu.vector_store %arg8[%swap3A], %add3A_62 {strides = array<i32>} : memref<512xf32, #tpu.memory_space<vmem>>, vector<16xf32>,
    }
    %scan3A_9 = arith.constant 32 : i32
    "tpu.region"() ({
      %run_scoped3A = tpu.sem_alloc : memref<!tpu.dma_semaphore, #tpu.memory_space<semaphore_mem>>
      %dma_start3A_10 = tpu.memref_slice %arg5[%mul3A_2] : memref<16384xf32, #tpu.memory_space<hbm>> -> memref<512xf32, #tpu.memory_space<hbm>>
      %dma_start3A_11 = tpu.memref_slice %arg5[%mul3A_2] : memref<16384xf32, #tpu.memory_space<hbm>> -> memref<512xf32, #tpu.memory_space<hbm>>
      tpu.enqueue_dma source(%arg8 : memref<512xf32, #tpu.memory_space<vmem>>) target(%dma_start3A_11 : memref<512xf32, #tpu.memory_space<hbm>>) target_semaphore(%run_scoped3A : memref<!tpu.dma_semaphore, #tpu.memory_space<semaphore_mem>>)
      %dma_wait3A_12 = tpu.memref_slice %arg5[%mul3A_2] : memref<16384xf32, #tpu.memory_space<hbm>> -> memref<512xf32, #tpu.memory_space<hbm>>
      %dma_wait3A_13 = tpu.memref_slice %arg5[%mul3A_2] : memref<16384xf32, #tpu.memory_space<hbm>> -> memref<512xf32, #tpu.memory_space<hbm>>
      tpu.wait_dma2 semaphore(%run_scoped3A : memref<!tpu.dma_semaphore, #tpu.memory_space<semaphore_mem>>) src(%arg8 : memref<512xf32, #tpu.memory_space<vmem>>) dst(%dma_wait3A_13 : memref<512xf32, #tpu.memory_space<hbm>>)
      tpu.yield
    }) : () -> ()
    return
  }
}

#map = affine_map<(d0, d1) -> (0, 0)>
#map1 = affine_map<(d0, d1) -> (0)>
module attributes {stable_mosaic.version = 14 : i64} {
  func.func @_k2(%arg0: i32, %arg1: i32, %arg2: memref<32x13312xi32, #tpu.memory_space<hbm>>, %arg3: memref<700000xf32, #tpu.memory_space<hbm>>, %arg4: memref<16384xf32, #tpu.memory_space<hbm>>, %arg5: memref<16xf32, #tpu.memory_space<hbm>>, %arg6: memref<16384xf32, #tpu.memory_space<hbm>>, %arg7: memref<3584xi32, #tpu.memory_space<vmem>>, %arg8: memref<3584xf32, #tpu.memory_space<vmem>>, %arg9: memref<512xf32, #tpu.memory_space<vmem>>, %arg10: memref<16xf32, #tpu.memory_space<vmem>>, %arg11: memref<!tpu.dma_semaphore, #tpu.memory_space<semaphore_mem>>) attributes {dimension_semantics = [#tpu.dimension_semantics<core_parallel>, #tpu.dimension_semantics<subcore_parallel>], iteration_bounds = array<i64: 2, 16>, scalar_prefetch = 0 : i64, scratch_operands = 5 : i64, tpu.core_type = #tpu.core_type<sc_vector_subcore>, window_params = [{transform_indices = #map}, {transform_indices = #map1}, {transform_indices = #map1}, {transform_indices = #map1}, {transform_indices = #map1}]} {
    %mul3A = arith.constant 2 : i32
    %mul3A_0 = arith.muli %arg1, %mul3A : i32
    %add3A = arith.addi %mul3A_0, %arg0 : i32
    %mul3A_1 = arith.constant 512 : i32
    %mul3A_2 = arith.muli %add3A, %mul3A_1 : i32
    "tpu.region"() ({
      %run_scoped3A = tpu.sem_alloc : memref<!tpu.dma_semaphore, #tpu.memory_space<semaphore_mem>>
      %dma_start3A_11 = arith.constant 9728 : i32
      %dma_start3A_12 = tpu.memref_slice %arg2[%add3A, %dma_start3A_11] : memref<32x13312xi32, #tpu.memory_space<hbm>> -> memref<1x3584xi32, #tpu.memory_space<hbm>>
      %dma_start3A_13 = tpu.memref_squeeze %dma_start3A_12 : memref<1x3584xi32, #tpu.memory_space<hbm>> -> memref<3584xi32, #tpu.memory_space<hbm>>
      %dma_start3A_14 = arith.constant 9728 : i32
      %dma_start3A_15 = tpu.memref_slice %arg2[%add3A, %dma_start3A_14] : memref<32x13312xi32, #tpu.memory_space<hbm>> -> memref<1x3584xi32, #tpu.memory_space<hbm>>
      %dma_start3A_16 = tpu.memref_squeeze %dma_start3A_15 : memref<1x3584xi32, #tpu.memory_space<hbm>> -> memref<3584xi32, #tpu.memory_space<hbm>>
      tpu.enqueue_dma source(%dma_start3A_16 : memref<3584xi32, #tpu.memory_space<hbm>>) target(%arg7 : memref<3584xi32, #tpu.memory_space<vmem>>) target_semaphore(%run_scoped3A : memref<!tpu.dma_semaphore, #tpu.memory_space<semaphore_mem>>)
      %dma_wait3A_17 = arith.constant 9728 : i32
      %dma_wait3A_18 = tpu.memref_slice %arg2[%add3A, %dma_wait3A_17] : memref<32x13312xi32, #tpu.memory_space<hbm>> -> memref<1x3584xi32, #tpu.memory_space<hbm>>
      %dma_wait3A_19 = tpu.memref_squeeze %dma_wait3A_18 : memref<1x3584xi32, #tpu.memory_space<hbm>> -> memref<3584xi32, #tpu.memory_space<hbm>>
      %dma_wait3A_20 = arith.constant 9728 : i32
      %dma_wait3A_21 = tpu.memref_slice %arg2[%add3A, %dma_wait3A_20] : memref<32x13312xi32, #tpu.memory_space<hbm>> -> memref<1x3584xi32, #tpu.memory_space<hbm>>
      %dma_wait3A_22 = tpu.memref_squeeze %dma_wait3A_21 : memref<1x3584xi32, #tpu.memory_space<hbm>> -> memref<3584xi32, #tpu.memory_space<hbm>>
      tpu.wait_dma2 semaphore(%run_scoped3A : memref<!tpu.dma_semaphore, #tpu.memory_space<semaphore_mem>>) src(%dma_wait3A_22 : memref<3584xi32, #tpu.memory_space<hbm>>) dst(%arg7 : memref<3584xi32, #tpu.memory_space<vmem>>)
      tpu.yield
    }) : () -> ()
    "tpu.region"() ({
      %run_scoped3A = tpu.sem_alloc : memref<!tpu.dma_semaphore, #tpu.memory_space<semaphore_mem>>
      %dma_start3A_11 = tpu.memref_slice %arg4[%mul3A_2] : memref<16384xf32, #tpu.memory_space<hbm>> -> memref<512xf32, #tpu.memory_space<hbm>>
      %dma_start3A_12 = tpu.memref_slice %arg4[%mul3A_2] : memref<16384xf32, #tpu.memory_space<hbm>> -> memref<512xf32, #tpu.memory_space<hbm>>
      tpu.enqueue_dma source(%dma_start3A_12 : memref<512xf32, #tpu.memory_space<hbm>>) target(%arg9 : memref<512xf32, #tpu.memory_space<vmem>>) target_semaphore(%run_scoped3A : memref<!tpu.dma_semaphore, #tpu.memory_space<semaphore_mem>>)
      %dma_wait3A_13 = tpu.memref_slice %arg4[%mul3A_2] : memref<16384xf32, #tpu.memory_space<hbm>> -> memref<512xf32, #tpu.memory_space<hbm>>
      %dma_wait3A_14 = tpu.memref_slice %arg4[%mul3A_2] : memref<16384xf32, #tpu.memory_space<hbm>> -> memref<512xf32, #tpu.memory_space<hbm>>
      tpu.wait_dma2 semaphore(%run_scoped3A : memref<!tpu.dma_semaphore, #tpu.memory_space<semaphore_mem>>) src(%dma_wait3A_14 : memref<512xf32, #tpu.memory_space<hbm>>) dst(%arg9 : memref<512xf32, #tpu.memory_space<vmem>>)
      tpu.yield
    }) : () -> ()
    "tpu.region"() ({
      %run_scoped3A = tpu.sem_alloc : memref<!tpu.dma_semaphore, #tpu.memory_space<semaphore_mem>>
      tpu.enqueue_dma source(%arg5 : memref<16xf32, #tpu.memory_space<hbm>>) target(%arg10 : memref<16xf32, #tpu.memory_space<vmem>>) target_semaphore(%run_scoped3A : memref<!tpu.dma_semaphore, #tpu.memory_space<semaphore_mem>>)
      tpu.wait_dma2 semaphore(%run_scoped3A : memref<!tpu.dma_semaphore, #tpu.memory_space<semaphore_mem>>) src(%arg5 : memref<16xf32, #tpu.memory_space<hbm>>) dst(%arg10 : memref<16xf32, #tpu.memory_space<vmem>>)
      tpu.yield
    }) : () -> ()
    %dma_start3A = arith.constant 0 : i32
    %dma_start3A_3 = tpu.memref_slice %arg3[%dma_start3A] : memref<700000xf32, #tpu.memory_space<hbm>> -> memref<700000xf32, #tpu.memory_space<hbm>>
    tpu.enqueue_indirect_dma source(%dma_start3A_3 : memref<700000xf32, #tpu.memory_space<hbm>>) target(%arg8 : memref<3584xf32, #tpu.memory_space<vmem>>) offsets(%arg7 : memref<3584xi32, #tpu.memory_space<vmem>>) semaphore(%arg11 : memref<!tpu.dma_semaphore, #tpu.memory_space<semaphore_mem>>)
    %dma_wait3A = arith.constant 0 : i32
    %dma_wait3A_4 = tpu.memref_slice %arg3[%dma_wait3A] : memref<700000xf32, #tpu.memory_space<hbm>> -> memref<700000xf32, #tpu.memory_space<hbm>>
    tpu.wait_indirect_dma semaphore(%arg11 : memref<!tpu.dma_semaphore, #tpu.memory_space<semaphore_mem>>) src(%dma_wait3A_4 : memref<700000xf32, #tpu.memory_space<hbm>>) dst(%arg8 : memref<3584xf32, #tpu.memory_space<vmem>>)
    %get3A = arith.constant 0 : index
    %get3A_5 = tpu.vector_load %arg10[%get3A] {strides = array<i32>} : memref<16xf32, #tpu.memory_space<vmem>>, vector<16xf32>,
    %scan3A = arith.constant 0 : i32
    %scan3A_6 = arith.constant 0 : i32
    %scan3A_7 = arith.constant 32 : i32
    %scan3A_8 = arith.addi %scan3A_6, %scan3A_7 : i32
    %scan3A_9 = arith.constant 1 : i32
    scf.for %scan3A_11 = %scan3A_6 to %scan3A_8 step %scan3A_9  : i32 {
      %mul3A_12 = arith.constant 16 : i32
      %mul3A_13 = arith.muli %scan3A_11, %mul3A_12 : i32
      %get3A_14 = arith.index_cast %mul3A_13 : i32 to index
      %get3A_15 = tpu.vector_load %arg9[%get3A_14] {strides = array<i32>} : memref<512xf32, #tpu.memory_space<vmem>>, vector<16xf32>,
      %mul3A_16 = arith.constant 16 : i32
      %mul3A_17 = arith.muli %scan3A_11, %mul3A_16 : i32
      %add3A_18 = arith.constant 0 : i32
      %add3A_19 = arith.addi %add3A_18, %mul3A_17 : i32
      %get3A_20 = arith.index_cast %add3A_19 : i32 to index
      %get3A_21 = tpu.vector_load %arg8[%get3A_20] {strides = array<i32>} : memref<3584xf32, #tpu.memory_space<vmem>>, vector<16xf32>,
      %add3A_22 = arith.addf %get3A_15, %get3A_21 : vector<16xf32>
      %mul3A_23 = arith.constant 16 : i32
      %mul3A_24 = arith.muli %scan3A_11, %mul3A_23 : i32
      %add3A_25 = arith.constant 512 : i32
      %add3A_26 = arith.addi %add3A_25, %mul3A_24 : i32
      %get3A_27 = arith.index_cast %add3A_26 : i32 to index
      %get3A_28 = tpu.vector_load %arg8[%get3A_27] {strides = array<i32>} : memref<3584xf32, #tpu.memory_space<vmem>>, vector<16xf32>,
      %add3A_29 = arith.addf %add3A_22, %get3A_28 : vector<16xf32>
      %mul3A_30 = arith.constant 16 : i32
      %mul3A_31 = arith.muli %scan3A_11, %mul3A_30 : i32
      %add3A_32 = arith.constant 1024 : i32
      %add3A_33 = arith.addi %add3A_32, %mul3A_31 : i32
      %get3A_34 = arith.index_cast %add3A_33 : i32 to index
      %get3A_35 = tpu.vector_load %arg8[%get3A_34] {strides = array<i32>} : memref<3584xf32, #tpu.memory_space<vmem>>, vector<16xf32>,
      %add3A_36 = arith.addf %add3A_29, %get3A_35 : vector<16xf32>
      %mul3A_37 = arith.constant 16 : i32
      %mul3A_38 = arith.muli %scan3A_11, %mul3A_37 : i32
      %add3A_39 = arith.constant 1536 : i32
      %add3A_40 = arith.addi %add3A_39, %mul3A_38 : i32
      %get3A_41 = arith.index_cast %add3A_40 : i32 to index
      %get3A_42 = tpu.vector_load %arg8[%get3A_41] {strides = array<i32>} : memref<3584xf32, #tpu.memory_space<vmem>>, vector<16xf32>,
      %add3A_43 = arith.addf %add3A_36, %get3A_42 : vector<16xf32>
      %mul3A_44 = arith.constant 16 : i32
      %mul3A_45 = arith.muli %scan3A_11, %mul3A_44 : i32
      %add3A_46 = arith.constant 2048 : i32
      %add3A_47 = arith.addi %add3A_46, %mul3A_45 : i32
      %get3A_48 = arith.index_cast %add3A_47 : i32 to index
      %get3A_49 = tpu.vector_load %arg8[%get3A_48] {strides = array<i32>} : memref<3584xf32, #tpu.memory_space<vmem>>, vector<16xf32>,
      %add3A_50 = arith.addf %add3A_43, %get3A_49 : vector<16xf32>
      %mul3A_51 = arith.constant 16 : i32
      %mul3A_52 = arith.muli %scan3A_11, %mul3A_51 : i32
      %add3A_53 = arith.constant 2560 : i32
      %add3A_54 = arith.addi %add3A_53, %mul3A_52 : i32
      %get3A_55 = arith.index_cast %add3A_54 : i32 to index
      %get3A_56 = tpu.vector_load %arg8[%get3A_55] {strides = array<i32>} : memref<3584xf32, #tpu.memory_space<vmem>>, vector<16xf32>,
      %add3A_57 = arith.addf %add3A_50, %get3A_56 : vector<16xf32>
      %mul3A_58 = arith.constant 16 : i32
      %mul3A_59 = arith.muli %scan3A_11, %mul3A_58 : i32
      %add3A_60 = arith.constant 3072 : i32
      %add3A_61 = arith.addi %add3A_60, %mul3A_59 : i32
      %get3A_62 = arith.index_cast %add3A_61 : i32 to index
      %get3A_63 = tpu.vector_load %arg8[%get3A_62] {strides = array<i32>} : memref<3584xf32, #tpu.memory_space<vmem>>, vector<16xf32>,
      %add3A_64 = arith.addf %add3A_57, %get3A_63 : vector<16xf32>
      %add3A_65 = arith.addf %add3A_64, %get3A_5 : vector<16xf32>
      %neg3A = arith.constant 0.000000e+00 : f32
      %neg3A_66 = vector.broadcast %neg3A : f32 to vector<16xf32>
      %neg3A_67 = arith.subf %neg3A_66, %add3A_65 : vector<16xf32>
      %exp3A = math.exp %neg3A_67 : vector<16xf32>
      %add3A_68 = arith.constant 1.000000e+00 : f32
      %add3A_69 = vector.broadcast %add3A_68 : f32 to vector<16xf32>
      %add3A_70 = arith.addf %add3A_69, %exp3A : vector<16xf32>
      %div3A = arith.constant 1.000000e+00 : f32
      %div3A_71 = vector.broadcast %div3A : f32 to vector<16xf32>
      %div3A_72 = arith.divf %div3A_71, %add3A_70 : vector<16xf32>
      %swap3A = arith.index_cast %mul3A_13 : i32 to index
      %swap3A_73 = tpu.vector_load %arg9[%swap3A] {strides = array<i32>} : memref<512xf32, #tpu.memory_space<vmem>>, vector<16xf32>,
      tpu.vector_store %arg9[%swap3A], %div3A_72 {strides = array<i32>} : memref<512xf32, #tpu.memory_space<vmem>>, vector<16xf32>,
    }
    %scan3A_10 = arith.constant 32 : i32
    "tpu.region"() ({
      %run_scoped3A = tpu.sem_alloc : memref<!tpu.dma_semaphore, #tpu.memory_space<semaphore_mem>>
      %dma_start3A_11 = tpu.memref_slice %arg6[%mul3A_2] : memref<16384xf32, #tpu.memory_space<hbm>> -> memref<512xf32, #tpu.memory_space<hbm>>
      %dma_start3A_12 = tpu.memref_slice %arg6[%mul3A_2] : memref<16384xf32, #tpu.memory_space<hbm>> -> memref<512xf32, #tpu.memory_space<hbm>>
      tpu.enqueue_dma source(%arg9 : memref<512xf32, #tpu.memory_space<vmem>>) target(%dma_start3A_12 : memref<512xf32, #tpu.memory_space<hbm>>) target_semaphore(%run_scoped3A : memref<!tpu.dma_semaphore, #tpu.memory_space<semaphore_mem>>)
      %dma_wait3A_13 = tpu.memref_slice %arg6[%mul3A_2] : memref<16384xf32, #tpu.memory_space<hbm>> -> memref<512xf32, #tpu.memory_space<hbm>>
      %dma_wait3A_14 = tpu.memref_slice %arg6[%mul3A_2] : memref<16384xf32, #tpu.memory_space<hbm>> -> memref<512xf32, #tpu.memory_space<hbm>>
      tpu.wait_dma2 semaphore(%run_scoped3A : memref<!tpu.dma_semaphore, #tpu.memory_space<semaphore_mem>>) src(%arg9 : memref<512xf32, #tpu.memory_space<vmem>>) dst(%dma_wait3A_14 : memref<512xf32, #tpu.memory_space<hbm>>)
      tpu.yield
    }) : () -> ()
    return
  }
}

</mosaic_0001>

<sc_bundles>
// kernel: kernel.10.cloned.1.call-start
scs
__scs_entry_jumppad:
0x0: {  	(pc) =	sbr.rel $0x88, $3  }
0x1: {  	(tag) =	ssettag $0x0;
	lr =	simm.s32 $0x1  }
0x2: {  	[smem:$0x3F9E] =	sst lr;
	_ =	strace $0xD0000000  }
0x3: {  	_ = 	snop  }
0x4: {  	_ = 	snop  }
0x5: {  	_ = 	snop  }
0x6: {  	_ = 	snop  }
0x7: {  	_ = 	snop  }
__scs_overlays_trampoline_lowered:
0x8: {  	[smem:$0x3FAD] =	sst s0  }
0x9: {  	[smem:$0x3FAE] =	sst s1  }
0xa: {  	[smem:$0x3FAF] =	sst s2  }
0xb: {  	[smem:$0x3FB0] =	sst s3  }
0xc: {  	[smem:$0x3FB1] =	sst s4  }
0xd: {  	[smem:$0x3FB2] =	sst s5  }
0xe: {  	[smem:$0x3FB3] =	sst s6  }
0xf: {  	[smem:$0x3FB4] =	sst s7  }
0x10: {  	[smem:$0x3FB5] =	sst s8  }
0x11: {  	[smem:$0x3FB6] =	sst s9;
	s0 =	simm.s32 @!p0 $0x0  }
0x12: {  	s1 =	sld [smem:$0x3F9C];
	s0 =	simm.s32 @p0 $0x1  }
0x13: {  	[smem:$0x3FB7] =	sst s0;
	s0 =	simm.s32 @!p1 $0x0  }
0x14: {  	s2 =	sld [smem:$0x3F9B];
	s0 =	simm.s32 @p1 $0x1  }
0x15: {  	[smem:$0x3FB8] =	sst s0;
	s0 =	simm.s32 @!p2 $0x0  }
0x16: {  	s3 =	sld [smem:$0x3FDB];
	s0 =	simm.s32 @p2 $0x1  }
0x17: {  	s4 =	simm.s32 $0x1BF5;
	[smem:$0x3FBA] =	sst s0  }
0x18: {  	s0 =	sld [smem:$0x3F9D];
	_ =	swait.ge [sflag:s4], $0x0  }
0x19: {  	s7 =	sld [smem:$0x3F9E]  }
0x1a: {  	s8 =	sadd.s32 $0xFFFFE003, lr  }
0x1b: {  	s9 =	sadd.s32 $0xFFFFFEF7, lr;
	s5 =	simm.s32 $0xFFFFFFFF;
	p2 =	slt.u32 s8, $0xFFFFF086  }
0x1c: {  	p1 =	slt.u32 s9, $0xF7A;
	s5 =	simm.s32 @!p2 $0x0  }
0x1d: {  	s5 =	simm.s32 @p1 $0x1;
	p0 =	seq.s32 s7, s2  }
0x1e: {  	s7 =	smul.u32 @!p0 $0xF7A, s2;
	p2 =	seq.s32 @!p0 s5, $0x0  }
0x1f: {  	s9 =	smul.u32 $0xF7A, s1;
	s8 =	simm.s32 @!p0 $0x1BF5;
	p2 =	por !p2, p0  }
0x20: {  	[sflag:s8] =	ssyncset.s32 @!p0 $0xFFFFF086;
	s6 =	sadd.s32 @!p0 s3, s7;
	s7 =	simm.s32 @!p0 $0x108  }
0x21: {  	s3 =	sadd.s32 s3, s9;
	s6 =	sadd.s32 @!p0 $0x88, s6;
	s7 =	simm.s32 @p2 $0x1082  }
0x22: {  	[simem:s7], [sflag:s8] =	dma.local @!p0 [hbm:s6], $0xF7A  }
0x23: {  	s9 =	sor.u32 $0xD0000000, s2;
	s6 =	simm.s32 $0x108;
	_ =	swait.ge @!p0 [sflag:s8], $0x0  }
0x24: {  	s3 =	sadd.s32 $0x88, s3;
	s6 =	simm.s32 @!p1 $0x1082;
	[sflag:s4] =	ssyncset.s32 $0xFFFFF086  }
0x25: {  	[simem:s6], [sflag:s4] =	dma.local [hbm:s3], $0xF7A  }
0x26: {  	[smem:$0x3F9E] =	sst s1;
	(tag) =	ssettag s2;
	_ =	strace s9  }
0x27: {  	s1 =	sld [smem:$0x3FAE]  }
0x28: {  	s2 =	sld [smem:$0x3FAF]  }
0x29: {  	s4 =	sld [smem:$0x3FB1]  }
0x2a: {  	p0 =	seq.s32 s5, $0x0;
	s5 =	sld [smem:$0x3FB2]  }
0x2b: {  	s6 =	sld [smem:$0x3FB3]  }
0x2c: {  	s7 =	sld [smem:$0x3FB4]  }
0x2d: {  	s3 =	simm.s32 $0x108;
	s8 =	sld [smem:$0x3FB5]  }
0x2e: {  	s3 =	simm.s32 @!p0 $0x1082;
	s9 =	sld [smem:$0x3FB6]  }
0x2f: {  	lr =	sadd.s32 s0, s3;
	s0 =	sld [smem:$0x3FAD]  }
0x30: {  	s3 =	sld [smem:$0x3FB0]  }
0x31: {  	[smem:$0x3FB9] =	sst s10  }
0x32: {  	s10 =	sld [smem:$0x3FB7];
	_ =	sdelay $0x3  }
0x33: {  	p0 =	seq.s32 s10, $0x1;
	s10 =	sld [smem:$0x3FB9];
	_ =	sdelay $0x3  }
0x34: {  	[smem:$0x3FB9] =	sst s10  }
0x35: {  	s10 =	sld [smem:$0x3FB8];
	_ =	sdelay $0x3  }
0x36: {  	p1 =	seq.s32 s10, $0x1;
	s10 =	sld [smem:$0x3FB9];
	_ =	sdelay $0x3  }
0x37: {  	[smem:$0x3FB9] =	sst s10  }
0x38: {  	s10 =	sld [smem:$0x3FBA]  }
0x39: {  	_ = 	snop;
	(pc) =	sbr.ind lr, $3  }
0x3a: {  	_ = 	snop  }
0x3b: {  	_ = 	snop  }
0x3c: {  	p2 =	seq.s32 s10, $0x1;
	s10 =	sld [smem:$0x3FB9]  }
0x3d: {  	_ =	shalt  }
0x3e: {  	_ =	shalt  }
0x3f: {  	_ =	shalt  }
0x40: {  	_ =	shalt  }
0x41: {  	_ =	shalt  }
0x42: {  	_ =	shalt  }
0x43: {  	_ =	shalt  }
0x44: {  	_ =	shalt  }
0x45: {  	_ =	shalt  }
0x46: {  	_ =	shalt  }
0x47: {  	_ =	shalt  }
0x48: {  	_ =	shalt  }
0x49: {  	_ =	shalt  }
0x4a: {  	_ =	shalt  }
0x4b: {  	_ =	shalt  }
0x4c: {  	_ =	shalt  }
0x4d: {  	_ =	shalt  }
0x4e: {  	_ =	shalt  }
0x4f: {  	_ =	shalt  }
0x50: {  	_ =	shalt  }
0x51: {  	_ =	shalt  }
0x52: {  	_ =	shalt  }
0x53: {  	_ =	shalt  }
0x54: {  	_ =	shalt  }
0x55: {  	_ =	shalt  }
0x56: {  	_ =	shalt  }
0x57: {  	_ =	shalt  }
0x58: {  	_ =	shalt  }
0x59: {  	_ =	shalt  }
0x5a: {  	_ =	shalt  }
0x5b: {  	_ =	shalt  }
0x5c: {  	_ =	shalt  }
0x5d: {  	_ =	shalt  }
0x5e: {  	_ =	shalt  }
0x5f: {  	_ =	shalt  }
0x60: {  	_ =	shalt  }
0x61: {  	_ =	shalt  }
0x62: {  	_ =	shalt  }
0x63: {  	_ =	shalt  }
0x64: {  	_ =	shalt  }
0x65: {  	_ =	shalt  }
0x66: {  	_ =	shalt  }
0x67: {  	_ =	shalt  }
0x68: {  	_ =	shalt  }
0x69: {  	_ =	shalt  }
0x6a: {  	_ =	shalt  }
0x6b: {  	_ =	shalt  }
0x6c: {  	_ =	shalt  }
0x6d: {  	_ =	shalt  }
0x6e: {  	_ =	shalt  }
0x6f: {  	_ =	shalt  }
0x70: {  	_ =	shalt  }
0x71: {  	_ =	shalt  }
0x72: {  	_ =	shalt  }
0x73: {  	_ =	shalt  }
0x74: {  	_ =	shalt  }
0x75: {  	_ =	shalt  }
0x76: {  	_ =	shalt  }
0x77: {  	_ =	shalt  }
0x78: {  	_ =	shalt  }
0x79: {  	_ =	shalt  }
0x7a: {  	_ =	shalt  }
0x7b: {  	_ =	shalt  }
0x7c: {  	_ =	shalt  }
0x7d: {  	_ =	shalt  }
0x7e: {  	_ =	shalt  }
0x7f: {  	_ =	shalt  }
0x80: {  	_ =	shalt  }
0x81: {  	_ =	shalt  }
0x82: {  	_ =	shalt  }
0x83: {  	_ =	shalt  }
0x84: {  	_ =	shalt  }
0x85: {  	_ =	shalt  }
0x86: {  	_ =	shalt  }
0x87: {  	_ =	shalt  }
.Lfunc_end0:
.L_simem_size_0:
called_computation.1_lowered:
.L_overlay_start_0:
0x88: {  	s2 =	sld [smem:$0x3FD9]  }
0x89: {  	s3 =	sld [smem:$0x3FFE];
	_ =	sdelay $0x1  }
0x8a: {  	s1 =	srdreg.scid  }
0x8b: {  	s0 =	sand.u32 $0x1, s1  }
0x8c: {  	s16 =	sshll.u32 s0, $0xA;
	s2 =	sadd.s32 s3, s2  }
0x8d: {  	s2 =	sadd.s32 s2, s16  }
0x8e: {  	[smem:$0x3FC5] =	sst s2  }
0x8f: {  	_ = 	snop  }
0x90: {  	(tm) =	ssettm $0x1  }
0x91: {  	s17 =	sld [smem:$0x3FFB];
	_ =	sdelay $0x3  }
0x92: {  	_ =	strace s17  }
0x93: {  	s2 =	sld [smem:$0x3FFC];
	_ =	sdelay $0x3  }
0x94: {  	_ =	strace s2  }
0x95: {  	s2 =	sld [smem:$0x3FFD];
	_ =	sdelay $0x3  }
0x96: {  	_ =	strace s2  }
0x97: {  	_ =	strace $0x8FFFFFFF  }
0x98: {  	s18 =	sld [smem:$0x3FDB];
	_ =	sdelay $0x1  }
0x99: {  	s19 =	simm.s32 $_scs_section_size  }
0x9a: {  	s4 =	simm.s32 $_size__tile_overlayer_lowered;
	s5 =	simm.s32 $_tile_overlayer_lowered  }
0x9b: {  	s22 =	simm.s32 $0x1BFF;
	s21 =	sshll.u32 s5, $0x1;
	s2 =	sadd.s32 s19, s18  }
0x9c: {  	s6 =	simm.s32 $0x0;
	s20 =	sshll.u32 s4, $0x1;
	s4 =	sadd.s32 s21, s2  }
0x9d: {  	[timem:s6], [sflag:s22] =	dma.local [hbm:s4], s20  }
0x9e: {  	_ =	swait.ge [sflag:s22], s20  }
0x9f: {  	s3 =	ssub.s32 $0x0, s20;
	[sflag:s22] =	ssyncset.done $0x0  }
0xa0: {  	[sflag:s22] =	ssyncadd.s32 s3;
	_ =	sdelay $0x1  }
0xa1: {  	s23 =	simm.s32 $0x1B8B  }
0xa2: {  	_ =	swait.ge [sflag:s23], $0x1  }
0xa3: {  	[sflag:s23] =	ssyncset.done $0x0  }
0xa4: {  	s25 =	simm.s32 $0x1B8E;
	s24 =	sld [smem:$0x3FFE];
	[sflag:s23] =	ssyncadd.s32 $0xFFFFFFFF  }
0xa5: {  	s26 =	simm.s32 $execute0_lowered;
	[smem:$0x3FD2] =	sst s25  }
0xa6: {  	s4 =	sshll.u32 s26, $0x1;
	_ =	strace $0x80000049;
	[dreg:$0x1] =	wrdreg $0xFFFFFFFF  }
0xa7: {  	s28 =	simm.s32 $_size_execute0_lowered;
	s2 =	sadd.s32 s2, s4;
	[dreg:$0x0] =	wrdreg $0x0  }
0xa8: {  	s4 =	sshll.u32 s28, $0x1;
	[dreg:$0x2] =	wrdreg s2  }
0xa9: {  	[dreg:$0x3] =	wrdreg s4  }
0xaa: {  	[dreg:$0x4] =	wrdreg $0xC0  }
0xab: {  	_ =	task [dreg:s6], $0x5FFFF  }
0xac: {  	[dreg:$0x1] =	wrdreg $0xFFFFFFFF  }
0xad: {  	[dreg:$0x0] =	wrdreg $0x60  }
0xae: {  	[dreg:$0x2] =	wrdreg s24  }
0xaf: {  	[dreg:$0x3] =	wrdreg $0x9  }
0xb0: {  	_ =	task.clear_ibuf [dreg:s6], $0x4FFFF;
	_ =	strace $0x90000049  }
0xb1: {  	s29 =	simm.s32 $0x9;
	_ =	strace $0x8000004B  }
0xb2: {  	_ =	swait.ge [sflag:s29], $0x1  }
0xb3: {  	[sflag:s29] =	ssyncadd.s32 $0xFFFFFFFF  }
0xb4: {  	_ =	strace $0x9000004B  }
0xb5: {  	_ =	sfence  }
0xb6: {  	s30 =	sld [smem:$0x0];
	_ =	sdelay $0x2  }
0xb7: {  	s31 =	sshll.u32 s1, $0xD;
	s1 =	sshrl.u32 s1, $0x2  }
0xb8: {  	s3 =	sand.u32 $0x4000, s31;
	s1 =	sadd.s32 s1, s30  }
0xb9: {  	s0 =	sor.u32 s3, s0;
	s1 =	sshll.u32 s1, $0x11  }
0xba: {  	s0 =	sor.u32 s1, s0  }
0xbb: {  	s0 =	sadd.s32 $0x8F2B, s0  }
0xbc: {  	[sflag:s0] =	ssyncadd.remote.s32 $0x1  }
0xbd: {  	_ =	sfence.sel $0xFFFF  }
0xbe: {  	[dreg:$0x0] =	wrdreg $0xFFFFFFFF;
	(pc) =	sbr.abs _section_cstart, $3  }
0xbf: {  	[dreg:$0x1] =	wrdreg $0xFFFFFFFF  }
0xc0: {  	_ =	task.clear_ibuf [dreg:s6], $0x2FFFF;
	_ =	strace $0x9FFFFFFF  }
0xc1: {  	(tm) =	ssettm $0x7FFFFFFF  }
tec
execute0_lowered:
.L_overlay_start_1:
0x0: {  	(tag) =	ssettag $0x1  }
0x1: {  	s1 =	srdreg.scid;
	s0 =	stileid.u32  }
0x2: {  	s5 =	rddreg [dreg:$0x0];
	s2 =	simm.s32 $0x0;
	s9 =	simm.s32 $0x2  }
0x3: {  	s10 =	simm.s32 $0x1;
	s3 =	sand.u32 $0x1, s1;
	s29 =	sshll.u32 s0, $0x1  }
0x4: {  	s11 =	simm.s32 $0x1800;
	s30 =	sshrl.u32 s0, $0x2;
	s4 =	sor.u32 s3, s29  }
0x5: {  	s1 =	rddreg [dreg:$0x1];
	s6 =	smul.u32 $0x1A000, s30;
	s7 =	sshll.u32 s4, $0x7  }
0x6: {  	s12 =	simm.s32 $0x0;
	[smem:$0x7FF] =	sst s2;
	s7 =	sand.u32 $0x380, s7  }
0x7: {  	_ =	strace $0x8000004A;
	s31 =	ssub.s32 $0x2, s3;
	s6 =	sor.u32 s6, s7  }
0x8: {  	s3 =	sadd.s32 $0xE000, s5;
	s8 =	sshrl.u32 s31, $0x1;
	s6 =	sshrl.u32 s6, $0x3  }
0x9: {  	s4 =	sshll.u32 s4, $0x6;
	s7 =	ssub.s32 s31, s8;
	s6 =	sadd.s32 s6, s5  }
0xa: {  	s8 =	simm.s32 $0x400;
	s5 =	sadd.s32 s4, s5;
	s4 =	sadd.s32 $0x1000, s6  }
0xb: {  	s5 =	sadd.s32 $0x32C00, s5;
	s6 =	smax.u32 s7, $0x1;
	s7 =	simm.s32 $0x80  }
.LBB2_1:
0xc: {  	[tilespmem:s2], [sflag:$0x2] =	stream.strided.gather [hbm4b:s4+s7], $0xC00, s8, s7, $0x38;
	[tilespmem:$0x1A00] =	vst v63  }
0xd: {  	_ =	swait.ge [sflag:s9], $0xC00  }
0xe: {  	[sflag:s9] =	ssyncset.done $0x0  }
0xf: {  	s13 =	simm.s32 $0xC00;
	[sflag:s9] =	ssyncadd.s32 $0xFFFFF400  }
0x10: {  	[tilespmem:s13], [sflag:$0x1] =	stream.indirect.gather [hbm4b:s3+s13], $0x1, s2, s13, $0xb8;
	[tilespmem:$0x1A00] =	vst v63  }
0x11: {  	_ =	swait.ge [sflag:s10], $0xC00  }
0x12: {  	[sflag:s10] =	ssyncset.done $0x0  }
0x13: {  	[sflag:s10] =	ssyncadd.s32 $0xFFFFF400  }
0x14: {  	v0 =	vld [tilespmem:s13+$0x0]  }
0x15: {  	s31 =	sand.u32 $0x1F0, s2  }
0x16: {  	v1 =	vld [tilespmem:s31+$0xE00];
	_ =	sdelay $0x1  }
0x17: {  	v2 =	vld [tilespmem:s31+$0x1000]  }
0x18: {  	v0 =	vadd.f32 $0.0e+00, v0  }
0x19: {  	v3 =	vld [tilespmem:s31+$0x1200]  }
0x1a: {  	v0 =	vadd.f32 v1, v0  }
0x1b: {  	v1 =	vld [tilespmem:s31+$0x1400]  }
0x1c: {  	v0 =	vadd.f32 v2, v0  }
0x1d: {  	v2 =	vld [tilespmem:s31+$0x1600]  }
0x1e: {  	v0 =	vadd.f32 v3, v0;
	_ =	sdelay $0x1  }
0x1f: {  	v0 =	vadd.f32 v1, v0;
	_ =	sdelay $0x1  }
0x20: {  	v0 =	vadd.f32 v2, v0;
	_ =	sdelay $0x1  }
0x21: {  	s14 =	simm.s32 $0xC10;
	[tilespmem:s11+$0x0] =	vst v0  }
0x22: {  	s15 =	simm.s32 $0x10;
	s16 =	simm.s32 $0x20;
	s13 =	simm.s32 $0x1800;
	v0 =	vld [tilespmem:s14+$0x0]  }
.LBB2_2:
0x23: {  	p0 =	sne.s32 s16, $0x1F0;
	s17 =	sand.u32 $0x1F0, s15;
	s15 =	smov.u32 s16  }
0x24: {  	v1 =	vld [tilespmem:s17+$0xE00];
	_ =	sdelay $0x1  }
0x25: {  	v2 =	vld [tilespmem:s17+$0x1000]  }
0x26: {  	v0 =	vadd.f32 $0.0e+00, v0  }
0x27: {  	v3 =	vld [tilespmem:s17+$0x1200]  }
0x28: {  	v0 =	vadd.f32 v1, v0  }
0x29: {  	v1 =	vld [tilespmem:s17+$0x1400]  }
0x2a: {  	v0 =	vadd.f32 v2, v0  }
0x2b: {  	v2 =	vld [tilespmem:s17+$0x1600]  }
0x2c: {  	v0 =	vadd.f32 v3, v0;
	_ =	sdelay $0x1  }
0x2d: {  	v0 =	vadd.f32 v1, v0  }
.Ltmp0:
0x2e: {  	(pc) =	sbr.rel @p0 .LBB2_2-.Ltmp0, $4  }
0x2f: {  	v0 =	vadd.f32 v2, v0  }
0x30: {  	s13 =	sadd.s32 $0x10, s13  }
0x31: {  	s14 =	sadd.s32 $0x10, s14;
	[tilespmem:s13+$0x0] =	vst v0  }
0x32: {  	s16 =	sadd.s32 $0x10, s16;
	v0 =	vld [tilespmem:s14+$0x0]  }
0x33: {  	s14 =	sand.u32 $0x1F0, s15  }
0x34: {  	v1 =	vld [tilespmem:s14+$0xE00];
	_ =	sdelay $0x1  }
0x35: {  	v2 =	vld [tilespmem:s14+$0x1000]  }
0x36: {  	v0 =	vadd.f32 $0.0e+00, v0  }
0x37: {  	v3 =	vld [tilespmem:s14+$0x1200]  }
0x38: {  	v0 =	vadd.f32 v1, v0  }
0x39: {  	v62 =	vld [tilespmem:s14+$0x1400]  }
0x3a: {  	v0 =	vadd.f32 v2, v0  }
0x3b: {  	v63 =	vld [tilespmem:s14+$0x1600]  }
0x3c: {  	v0 =	vadd.f32 v3, v0;
	_ =	sdelay $0x1  }
0x3d: {  	v0 =	vadd.f32 v62, v0;
	_ =	sdelay $0x1  }
0x3e: {  	s12 =	sadd.s32 $0x1, s12;
	v0 =	vadd.f32 v63, v0  }
0x3f: {  	s13 =	sadd.s32 $0x10, s13;
	p0 =	sne.s32 s12, s6  }
.Ltmp1:
0x40: {  	[tilespmem:s13+$0x0] =	vst v0;
	(pc) =	sbr.rel @p0 .LBB2_1-.Ltmp1, $4  }
0x41: {  	[hbm4b:s5+s2] =	stream.linear.scatter [tilespmem:s11], [sflag:$0x2], $0x200, $0x38;
	[tilespmem:$0x1A00] =	vst v63  }
0x42: {  	_ =	swait.ge [sflag:s9], $0x200  }
0x43: {  	[sflag:s9] =	ssyncset.done $0x0  }
0x44: {  	[sflag:s9] =	ssyncadd.s32 $0xFFFFFE00  }
0x45: {  	_ =	sfence.sel $0x180000  }
0x46: {  	[bflag:$0x0] =	sbarrier.arrive $0xFFFF  }
0x47: {  	p0 =	sne.s32 s0, $0x0;
	_ =	strace $0x9000004A  }
0x48: {  	s0 =	sadd.s32 @!p0 $0x100000, s1;
	[bflag:$0x2] =	sbarrier.arrive $0xFFFF  }
0x49: {  	[sflag:s0] =	ssyncadd.tile.s32 @!p0 $0x1;
	_ =	shalt  }
.Lfunc_end2:
_tile_overlayer_lowered:
.L_overlay_start_2:
0x4a: {  	(tag) =	ssettag $0x2  }
0x4b: {  	s0 =	rddreg [dreg:$0x0];
	s2 =	stileid.u32  }
0x4c: {  	s1 =	rddreg [dreg:$0x1];
	p0 =	sne.s32 s2, $0x0  }
0x4d: {  	s3 =	rddreg [dreg:$0x2];
	[bflag:$0x3] =	sbarrier.arrive $0xFFFF;
	s2 =	simm.s32 @!p0 $0x1C02  }
0x4e: {  	[timem:s3], [sflag:s2] =	dma.local @!p0 [hbm:s0], s1  }
0x4f: {  	s0 =	simm.s32 @!p0 $0x2  }
0x50: {  	_ =	swait.ge @!p0 [sflag:s0], s1  }
0x51: {  	s1 =	ssub.s32 @!p0 $0x0, s1;
	[sflag:s0] =	ssyncset.done @!p0 $0x0  }
0x52: {  	[sflag:s0] =	ssyncadd.s32 @!p0 s1  }
0x53: {  	[bflag:$0x3] =	sbarrier.arrive $0xFFFF  }
0x54: {  	_ =	shalt  }

// kernel: kernel.13.cloned.1.call-start
scs
__scs_entry_jumppad:
0x0: {  	(pc) =	sbr.rel $0x88, $3  }
0x1: {  	(tag) =	ssettag $0x0;
	lr =	simm.s32 $0x1  }
0x2: {  	[smem:$0x3F9E] =	sst lr;
	_ =	strace $0xD0000000  }
0x3: {  	_ = 	snop  }
0x4: {  	_ = 	snop  }
0x5: {  	_ = 	snop  }
0x6: {  	_ = 	snop  }
0x7: {  	_ = 	snop  }
__scs_overlays_trampoline_lowered:
0x8: {  	[smem:$0x3FAD] =	sst s0  }
0x9: {  	[smem:$0x3FAE] =	sst s1  }
0xa: {  	[smem:$0x3FAF] =	sst s2  }
0xb: {  	[smem:$0x3FB0] =	sst s3  }
0xc: {  	[smem:$0x3FB1] =	sst s4  }
0xd: {  	[smem:$0x3FB2] =	sst s5  }
0xe: {  	[smem:$0x3FB3] =	sst s6  }
0xf: {  	[smem:$0x3FB4] =	sst s7  }
0x10: {  	[smem:$0x3FB5] =	sst s8  }
0x11: {  	[smem:$0x3FB6] =	sst s9;
	s0 =	simm.s32 @!p0 $0x0  }
0x12: {  	s1 =	sld [smem:$0x3F9C];
	s0 =	simm.s32 @p0 $0x1  }
0x13: {  	[smem:$0x3FB7] =	sst s0;
	s0 =	simm.s32 @!p1 $0x0  }
0x14: {  	s2 =	sld [smem:$0x3F9B];
	s0 =	simm.s32 @p1 $0x1  }
0x15: {  	[smem:$0x3FB8] =	sst s0;
	s0 =	simm.s32 @!p2 $0x0  }
0x16: {  	s3 =	sld [smem:$0x3FDB];
	s0 =	simm.s32 @p2 $0x1  }
0x17: {  	s4 =	simm.s32 $0x1BF5;
	[smem:$0x3FBA] =	sst s0  }
0x18: {  	s0 =	sld [smem:$0x3F9D];
	_ =	swait.ge [sflag:s4], $0x0  }
0x19: {  	s7 =	sld [smem:$0x3F9E]  }
0x1a: {  	s8 =	sadd.s32 $0xFFFFE003, lr  }
0x1b: {  	s9 =	sadd.s32 $0xFFFFFEF7, lr;
	s5 =	simm.s32 $0xFFFFFFFF;
	p2 =	slt.u32 s8, $0xFFFFF086  }
0x1c: {  	p1 =	slt.u32 s9, $0xF7A;
	s5 =	simm.s32 @!p2 $0x0  }
0x1d: {  	s5 =	simm.s32 @p1 $0x1;
	p0 =	seq.s32 s7, s2  }
0x1e: {  	s7 =	smul.u32 @!p0 $0xF7A, s2;
	p2 =	seq.s32 @!p0 s5, $0x0  }
0x1f: {  	s9 =	smul.u32 $0xF7A, s1;
	s8 =	simm.s32 @!p0 $0x1BF5;
	p2 =	por !p2, p0  }
0x20: {  	[sflag:s8] =	ssyncset.s32 @!p0 $0xFFFFF086;
	s6 =	sadd.s32 @!p0 s3, s7;
	s7 =	simm.s32 @!p0 $0x108  }
0x21: {  	s3 =	sadd.s32 s3, s9;
	s6 =	sadd.s32 @!p0 $0x88, s6;
	s7 =	simm.s32 @p2 $0x1082  }
0x22: {  	[simem:s7], [sflag:s8] =	dma.local @!p0 [hbm:s6], $0xF7A  }
0x23: {  	s9 =	sor.u32 $0xD0000000, s2;
	s6 =	simm.s32 $0x108;
	_ =	swait.ge @!p0 [sflag:s8], $0x0  }
0x24: {  	s3 =	sadd.s32 $0x88, s3;
	s6 =	simm.s32 @!p1 $0x1082;
	[sflag:s4] =	ssyncset.s32 $0xFFFFF086  }
0x25: {  	[simem:s6], [sflag:s4] =	dma.local [hbm:s3], $0xF7A  }
0x26: {  	[smem:$0x3F9E] =	sst s1;
	(tag) =	ssettag s2;
	_ =	strace s9  }
0x27: {  	s1 =	sld [smem:$0x3FAE]  }
0x28: {  	s2 =	sld [smem:$0x3FAF]  }
0x29: {  	s4 =	sld [smem:$0x3FB1]  }
0x2a: {  	p0 =	seq.s32 s5, $0x0;
	s5 =	sld [smem:$0x3FB2]  }
0x2b: {  	s6 =	sld [smem:$0x3FB3]  }
0x2c: {  	s7 =	sld [smem:$0x3FB4]  }
0x2d: {  	s3 =	simm.s32 $0x108;
	s8 =	sld [smem:$0x3FB5]  }
0x2e: {  	s3 =	simm.s32 @!p0 $0x1082;
	s9 =	sld [smem:$0x3FB6]  }
0x2f: {  	lr =	sadd.s32 s0, s3;
	s0 =	sld [smem:$0x3FAD]  }
0x30: {  	s3 =	sld [smem:$0x3FB0]  }
0x31: {  	[smem:$0x3FB9] =	sst s10  }
0x32: {  	s10 =	sld [smem:$0x3FB7];
	_ =	sdelay $0x3  }
0x33: {  	p0 =	seq.s32 s10, $0x1;
	s10 =	sld [smem:$0x3FB9];
	_ =	sdelay $0x3  }
0x34: {  	[smem:$0x3FB9] =	sst s10  }
0x35: {  	s10 =	sld [smem:$0x3FB8];
	_ =	sdelay $0x3  }
0x36: {  	p1 =	seq.s32 s10, $0x1;
	s10 =	sld [smem:$0x3FB9];
	_ =	sdelay $0x3  }
0x37: {  	[smem:$0x3FB9] =	sst s10  }
0x38: {  	s10 =	sld [smem:$0x3FBA]  }
0x39: {  	_ = 	snop;
	(pc) =	sbr.ind lr, $3  }
0x3a: {  	_ = 	snop  }
0x3b: {  	_ = 	snop  }
0x3c: {  	p2 =	seq.s32 s10, $0x1;
	s10 =	sld [smem:$0x3FB9]  }
0x3d: {  	_ =	shalt  }
0x3e: {  	_ =	shalt  }
0x3f: {  	_ =	shalt  }
0x40: {  	_ =	shalt  }
0x41: {  	_ =	shalt  }
0x42: {  	_ =	shalt  }
0x43: {  	_ =	shalt  }
0x44: {  	_ =	shalt  }
0x45: {  	_ =	shalt  }
0x46: {  	_ =	shalt  }
0x47: {  	_ =	shalt  }
0x48: {  	_ =	shalt  }
0x49: {  	_ =	shalt  }
0x4a: {  	_ =	shalt  }
0x4b: {  	_ =	shalt  }
0x4c: {  	_ =	shalt  }
0x4d: {  	_ =	shalt  }
0x4e: {  	_ =	shalt  }
0x4f: {  	_ =	shalt  }
0x50: {  	_ =	shalt  }
0x51: {  	_ =	shalt  }
0x52: {  	_ =	shalt  }
0x53: {  	_ =	shalt  }
0x54: {  	_ =	shalt  }
0x55: {  	_ =	shalt  }
0x56: {  	_ =	shalt  }
0x57: {  	_ =	shalt  }
0x58: {  	_ =	shalt  }
0x59: {  	_ =	shalt  }
0x5a: {  	_ =	shalt  }
0x5b: {  	_ =	shalt  }
0x5c: {  	_ =	shalt  }
0x5d: {  	_ =	shalt  }
0x5e: {  	_ =	shalt  }
0x5f: {  	_ =	shalt  }
0x60: {  	_ =	shalt  }
0x61: {  	_ =	shalt  }
0x62: {  	_ =	shalt  }
0x63: {  	_ =	shalt  }
0x64: {  	_ =	shalt  }
0x65: {  	_ =	shalt  }
0x66: {  	_ =	shalt  }
0x67: {  	_ =	shalt  }
0x68: {  	_ =	shalt  }
0x69: {  	_ =	shalt  }
0x6a: {  	_ =	shalt  }
0x6b: {  	_ =	shalt  }
0x6c: {  	_ =	shalt  }
0x6d: {  	_ =	shalt  }
0x6e: {  	_ =	shalt  }
0x6f: {  	_ =	shalt  }
0x70: {  	_ =	shalt  }
0x71: {  	_ =	shalt  }
0x72: {  	_ =	shalt  }
0x73: {  	_ =	shalt  }
0x74: {  	_ =	shalt  }
0x75: {  	_ =	shalt  }
0x76: {  	_ =	shalt  }
0x77: {  	_ =	shalt  }
0x78: {  	_ =	shalt  }
0x79: {  	_ =	shalt  }
0x7a: {  	_ =	shalt  }
0x7b: {  	_ =	shalt  }
0x7c: {  	_ =	shalt  }
0x7d: {  	_ =	shalt  }
0x7e: {  	_ =	shalt  }
0x7f: {  	_ =	shalt  }
0x80: {  	_ =	shalt  }
0x81: {  	_ =	shalt  }
0x82: {  	_ =	shalt  }
0x83: {  	_ =	shalt  }
0x84: {  	_ =	shalt  }
0x85: {  	_ =	shalt  }
0x86: {  	_ =	shalt  }
0x87: {  	_ =	shalt  }
.Lfunc_end0:
.L_simem_size_0:
called_computation.2_lowered:
.L_overlay_start_0:
0x88: {  	s2 =	sld [smem:$0x3FD9]  }
0x89: {  	s3 =	sld [smem:$0x3FFE];
	_ =	sdelay $0x1  }
0x8a: {  	s1 =	srdreg.scid  }
0x8b: {  	s0 =	sand.u32 $0x1, s1  }
0x8c: {  	s17 =	sshll.u32 s0, $0xA;
	s2 =	sadd.s32 s3, s2  }
0x8d: {  	s2 =	sadd.s32 s2, s17  }
0x8e: {  	[smem:$0x3FC5] =	sst s2  }
0x8f: {  	_ = 	snop  }
0x90: {  	s2 =	sld [smem:$0x3FD0];
	(tm) =	ssettm $0x1  }
0x91: {  	s18 =	sld [smem:$0x3FFB];
	_ =	sdelay $0x3  }
0x92: {  	_ =	strace s18  }
0x93: {  	s3 =	sld [smem:$0x3FFC];
	_ =	sdelay $0x3  }
0x94: {  	_ =	strace s3  }
0x95: {  	s3 =	sld [smem:$0x3FFD];
	_ =	sdelay $0x3  }
0x96: {  	_ =	strace s3  }
0x97: {  	_ =	strace $0x8FFFFFFF  }
0x98: {  	s19 =	sld [smem:$0x3FDB];
	_ =	sdelay $0x1  }
0x99: {  	s4 =	simm.s32 $_scs_section_size  }
0x9a: {  	s5 =	simm.s32 $_size__tile_overlayer_lowered;
	s6 =	simm.s32 $_tile_overlayer_lowered  }
0x9b: {  	s22 =	simm.s32 $0x1BFF;
	s21 =	sshll.u32 s6, $0x1;
	s3 =	sadd.s32 s4, s19  }
0x9c: {  	s7 =	simm.s32 $0x0;
	s20 =	sshll.u32 s5, $0x1;
	s5 =	sadd.s32 s21, s3  }
0x9d: {  	[timem:s7], [sflag:s22] =	dma.local [hbm:s5], s20  }
0x9e: {  	_ =	swait.ge [sflag:s22], s20  }
0x9f: {  	s4 =	ssub.s32 $0x0, s20;
	[sflag:s22] =	ssyncset.done $0x0  }
0xa0: {  	[sflag:s22] =	ssyncadd.s32 s4;
	_ =	sdelay $0x1  }
0xa1: {  	s23 =	simm.s32 $0x1B8B  }
0xa2: {  	_ =	swait.ge [sflag:s23], $0x1  }
0xa3: {  	[sflag:s23] =	ssyncset.done $0x0  }
0xa4: {  	s25 =	simm.s32 $0x1B8E;
	s24 =	sld [smem:$0x3FFE];
	[sflag:s23] =	ssyncadd.s32 $0xFFFFFFFF  }
0xa5: {  	s26 =	simm.s32 $execute0_lowered;
	[smem:$0x3FD2] =	sst s25  }
0xa6: {  	s5 =	sshll.u32 s26, $0x1;
	_ =	strace $0x8000004C;
	[dreg:$0x1] =	wrdreg $0xFFFFFFFF  }
0xa7: {  	s28 =	simm.s32 $_size_execute0_lowered;
	s3 =	sadd.s32 s3, s5;
	[dreg:$0x0] =	wrdreg $0x0  }
0xa8: {  	s5 =	sshll.u32 s28, $0x1;
	[dreg:$0x2] =	wrdreg s3  }
0xa9: {  	[dreg:$0x3] =	wrdreg s5  }
0xaa: {  	[dreg:$0x4] =	wrdreg $0xC0  }
0xab: {  	_ =	task [dreg:s7], $0x5FFFF  }
0xac: {  	[dreg:$0x1] =	wrdreg $0xFFFFFFFF  }
0xad: {  	[dreg:$0x0] =	wrdreg $0x60  }
0xae: {  	[dreg:$0x2] =	wrdreg s24  }
0xaf: {  	[dreg:$0x3] =	wrdreg s2  }
0xb0: {  	[dreg:$0x4] =	wrdreg $0x9  }
0xb1: {  	_ =	task.clear_ibuf [dreg:s7], $0x5FFFF;
	_ =	strace $0x9000004C  }
0xb2: {  	s29 =	simm.s32 $0x9;
	_ =	strace $0x8000004E  }
0xb3: {  	_ =	swait.ge [sflag:s29], $0x1  }
0xb4: {  	[sflag:s29] =	ssyncadd.s32 $0xFFFFFFFF  }
0xb5: {  	_ =	strace $0x9000004E  }
0xb6: {  	_ =	sfence  }
0xb7: {  	s30 =	sld [smem:$0x0];
	_ =	sdelay $0x2  }
0xb8: {  	s31 =	sshll.u32 s1, $0xD;
	s1 =	sshrl.u32 s1, $0x2  }
0xb9: {  	s3 =	sand.u32 $0x4000, s31;
	s1 =	sadd.s32 s1, s30  }
0xba: {  	s0 =	sor.u32 s3, s0;
	s1 =	sshll.u32 s1, $0x11  }
0xbb: {  	s0 =	sor.u32 s1, s0  }
0xbc: {  	s0 =	sadd.s32 $0x8F2B, s0  }
0xbd: {  	[sflag:s0] =	ssyncadd.remote.s32 $0x1  }
0xbe: {  	_ =	sfence.sel $0xFFFF  }
0xbf: {  	[dreg:$0x0] =	wrdreg $0xFFFFFFFF;
	(pc) =	sbr.abs _section_cstart, $3  }
0xc0: {  	[dreg:$0x1] =	wrdreg $0xFFFFFFFF  }
0xc1: {  	_ =	task.clear_ibuf [dreg:s7], $0x2FFFF;
	_ =	strace $0x9FFFFFFF  }
0xc2: {  	(tm) =	ssettm $0x7FFFFFFF  }
0xc3: {  	_ =	shalt  }
tec
execute0_lowered:
.L_overlay_start_1:
0x0: {  	(tag) =	ssettag $0x1  }
0x1: {  	s1 =	srdreg.scid;
	s5 =	rddreg [dreg:$0x0]  }
0x2: {  	s0 =	stileid.u32;
	s6 =	rddreg [dreg:$0x1];
	s10 =	simm.s32 $0x2  }
0x3: {  	s11 =	simm.s32 $0x1;
	s3 =	sand.u32 $0x1, s1;
	s29 =	sshll.u32 s0, $0x1  }
0x4: {  	s12 =	simm.s32 $0x1800;
	s30 =	sshrl.u32 s0, $0x2;
	s4 =	sor.u32 s3, s29  }
0x5: {  	s13 =	simm.s32 $0x0;
	s1 =	smul.u32 $0x1A000, s30;
	s2 =	sshll.u32 s4, $0x7  }
0x6: {  	s8 =	ssub.s32 $0x2, s3;
	s3 =	sadd.s32 $0x20600, s5;
	s2 =	sand.u32 $0x380, s2  }
0x7: {  	s9 =	sshll.u32 s4, $0x6;
	s31 =	sshrl.u32 s8, $0x1;
	s7 =	sor.u32 s2, s1  }
0x8: {  	s8 =	ssub.s32 s8, s31;
	s2 =	simm.s32 $0x0;
	s7 =	sadd.s32 $0x6000, s7  }
0x9: {  	s6 =	sadd.s32 s6, s9;
	[smem:$0x7FF] =	sst s2;
	s7 =	sshrl.u32 s7, $0x3  }
0xa: {  	s1 =	rddreg [dreg:$0x2];
	_ =	strace $0x8000004D;
	s7 =	sadd.s32 s7, s5  }
0xb: {  	s5 =	sadd.s32 s9, s5;
	s9 =	simm.s32 $0x400;
	s4 =	sadd.s32 $0x1000, s7  }
0xc: {  	s5 =	sadd.s32 $0x32C00, s5;
	s7 =	smax.u32 s8, $0x1;
	s8 =	simm.s32 $0x80  }
.LBB2_1:
0xd: {  	[tilespmem:s2], [sflag:$0x2] =	stream.strided.gather [hbm4b:s4+s8], $0xC00, s9, s8, $0x38;
	[tilespmem:$0x1A00] =	vst v63  }
0xe: {  	_ =	swait.ge [sflag:s10], $0xC00  }
0xf: {  	[sflag:s10] =	ssyncset.done $0x0  }
0x10: {  	[sflag:s10] =	ssyncadd.s32 $0xFFFFF400  }
0x11: {  	[tilespmem:s12], [sflag:$0x2] =	stream.linear.gather [hbm4b:s5+s2], $0x200, $0x38;
	[tilespmem:$0x1A00] =	vst v63  }
0x12: {  	_ =	swait.ge [sflag:s10], $0x200  }
0x13: {  	[sflag:s10] =	ssyncset.done $0x0  }
0x14: {  	s15 =	simm.s32 $0xC00;
	[sflag:s10] =	ssyncadd.s32 $0xFFFFFE00  }
0x15: {  	[tilespmem:s15], [sflag:$0x1] =	stream.indirect.gather [hbm4b:s3+s15], $0x1, s2, s15, $0xb8;
	[tilespmem:$0x1A00] =	vst v63  }
0x16: {  	_ =	swait.ge [sflag:s11], $0xC00  }
0x17: {  	[sflag:s11] =	ssyncset.done $0x0  }
0x18: {  	[sflag:s11] =	ssyncadd.s32 $0xFFFFF400  }
0x19: {  	v0 =	vld [tilespmem:s15+$0x0]  }
0x1a: {  	s16 =	simm.s32 $0x10;
	s17 =	simm.s32 $0x0;
	s14 =	simm.s32 $0x1800;
	v1 =	vld [tilespmem:s12+$0x0]  }
.LBB2_2:
0x1b: {  	p0 =	sne.s32 s16, $0x1F0;
	s18 =	sand.u32 $0x1F0, s17;
	s17 =	smov.u32 s16  }
0x1c: {  	v2 =	vld [tilespmem:s18+$0xE00];
	_ =	sdelay $0x1  }
0x1d: {  	v3 =	vld [tilespmem:s18+$0x1000]  }
0x1e: {  	v0 =	vadd.f32 v0, v1  }
0x1f: {  	v1 =	vld [tilespmem:s18+$0x1200]  }
0x20: {  	v0 =	vadd.f32 v2, v0  }
0x21: {  	v2 =	vld [tilespmem:s18+$0x1400]  }
0x22: {  	v0 =	vadd.f32 v3, v0  }
0x23: {  	v3 =	vld [tilespmem:s18+$0x1600]  }
0x24: {  	v0 =	vadd.f32 v1, v0;
	_ =	sdelay $0x1  }
0x25: {  	v0 =	vadd.f32 v2, v0;
	_ =	sdelay $0x1  }
.Ltmp0:
0x26: {  	v0 =	vadd.f32 v3, v0;
	(pc) =	sbr.rel @p0 .LBB2_2-.Ltmp0, $4  }
0x27: {  	_ = 	snop  }
0x28: {  	s15 =	sadd.s32 $0x10, s15;
	[tilespmem:s14+$0x0] =	vst v0  }
0x29: {  	s14 =	sadd.s32 $0x10, s14;
	v0 =	vld [tilespmem:s15+$0x0]  }
0x2a: {  	s16 =	sadd.s32 $0x10, s16;
	v1 =	vld [tilespmem:s14+$0x0]  }
0x2b: {  	s15 =	sand.u32 $0x1F0, s17  }
0x2c: {  	v2 =	vld [tilespmem:s15+$0xE00];
	_ =	sdelay $0x1  }
0x2d: {  	v3 =	vld [tilespmem:s15+$0x1000]  }
0x2e: {  	v0 =	vadd.f32 v0, v1  }
0x2f: {  	v61 =	vld [tilespmem:s15+$0x1200]  }
0x30: {  	v0 =	vadd.f32 v2, v0  }
0x31: {  	v62 =	vld [tilespmem:s15+$0x1400]  }
0x32: {  	v0 =	vadd.f32 v3, v0  }
0x33: {  	v63 =	vld [tilespmem:s15+$0x1600]  }
0x34: {  	v0 =	vadd.f32 v61, v0;
	_ =	sdelay $0x1  }
0x35: {  	v0 =	vadd.f32 v62, v0;
	_ =	sdelay $0x1  }
0x36: {  	s13 =	sadd.s32 $0x1, s13;
	v0 =	vadd.f32 v63, v0  }
0x37: {  	p0 =	sne.s32 s13, s7  }
.Ltmp1:
0x38: {  	[tilespmem:s14+$0x0] =	vst v0;
	(pc) =	sbr.rel @p0 .LBB2_1-.Ltmp1, $4  }
0x39: {  	[hbm4b:s6+s2] =	stream.linear.scatter [tilespmem:s12], [sflag:$0x2], $0x200, $0x38;
	[tilespmem:$0x1A00] =	vst v63  }
0x3a: {  	_ =	swait.ge [sflag:s10], $0x200  }
0x3b: {  	[sflag:s10] =	ssyncset.done $0x0  }
0x3c: {  	[sflag:s10] =	ssyncadd.s32 $0xFFFFFE00  }
0x3d: {  	_ =	sfence.sel $0x180000  }
0x3e: {  	[bflag:$0x0] =	sbarrier.arrive $0xFFFF  }
0x3f: {  	p0 =	sne.s32 s0, $0x0;
	_ =	strace $0x9000004D  }
0x40: {  	s0 =	sadd.s32 @!p0 $0x100000, s1;
	[bflag:$0x2] =	sbarrier.arrive $0xFFFF  }
0x41: {  	[sflag:s0] =	ssyncadd.tile.s32 @!p0 $0x1;
	_ =	shalt  }
.Lfunc_end2:
_tile_overlayer_lowered:
.L_overlay_start_2:
0x42: {  	(tag) =	ssettag $0x2  }
0x43: {  	s0 =	rddreg [dreg:$0x0];
	s2 =	stileid.u32  }
0x44: {  	s1 =	rddreg [dreg:$0x1];
	p0 =	sne.s32 s2, $0x0  }
0x45: {  	s3 =	rddreg [dreg:$0x2];
	[bflag:$0x3] =	sbarrier.arrive $0xFFFF;
	s2 =	simm.s32 @!p0 $0x1C02  }
0x46: {  	[timem:s3], [sflag:s2] =	dma.local @!p0 [hbm:s0], s1  }
0x47: {  	s0 =	simm.s32 @!p0 $0x2  }
0x48: {  	_ =	swait.ge @!p0 [sflag:s0], s1  }
0x49: {  	s1 =	ssub.s32 @!p0 $0x0, s1;
	[sflag:s0] =	ssyncset.done @!p0 $0x0  }
0x4a: {  	[sflag:s0] =	ssyncadd.s32 @!p0 s1  }
0x4b: {  	[bflag:$0x3] =	sbarrier.arrive $0xFFFF  }
0x4c: {  	_ =	shalt  }

// kernel: kernel.16.cloned.1.call-start
scs
__scs_entry_jumppad:
0x0: {  	(pc) =	sbr.rel $0x88, $3  }
0x1: {  	(tag) =	ssettag $0x0;
	lr =	simm.s32 $0x1  }
0x2: {  	[smem:$0x3F9E] =	sst lr;
	_ =	strace $0xD0000000  }
0x3: {  	_ = 	snop  }
0x4: {  	_ = 	snop  }
0x5: {  	_ = 	snop  }
0x6: {  	_ = 	snop  }
0x7: {  	_ = 	snop  }
__scs_overlays_trampoline_lowered:
0x8: {  	[smem:$0x3FAD] =	sst s0  }
0x9: {  	[smem:$0x3FAE] =	sst s1  }
0xa: {  	[smem:$0x3FAF] =	sst s2  }
0xb: {  	[smem:$0x3FB0] =	sst s3  }
0xc: {  	[smem:$0x3FB1] =	sst s4  }
0xd: {  	[smem:$0x3FB2] =	sst s5  }
0xe: {  	[smem:$0x3FB3] =	sst s6  }
0xf: {  	[smem:$0x3FB4] =	sst s7  }
0x10: {  	[smem:$0x3FB5] =	sst s8  }
0x11: {  	[smem:$0x3FB6] =	sst s9;
	s0 =	simm.s32 @!p0 $0x0  }
0x12: {  	s1 =	sld [smem:$0x3F9C];
	s0 =	simm.s32 @p0 $0x1  }
0x13: {  	[smem:$0x3FB7] =	sst s0;
	s0 =	simm.s32 @!p1 $0x0  }
0x14: {  	s2 =	sld [smem:$0x3F9B];
	s0 =	simm.s32 @p1 $0x1  }
0x15: {  	[smem:$0x3FB8] =	sst s0;
	s0 =	simm.s32 @!p2 $0x0  }
0x16: {  	s3 =	sld [smem:$0x3FDB];
	s0 =	simm.s32 @p2 $0x1  }
0x17: {  	s4 =	simm.s32 $0x1BF5;
	[smem:$0x3FBA] =	sst s0  }
0x18: {  	s0 =	sld [smem:$0x3F9D];
	_ =	swait.ge [sflag:s4], $0x0  }
0x19: {  	s7 =	sld [smem:$0x3F9E]  }
0x1a: {  	s8 =	sadd.s32 $0xFFFFE003, lr  }
0x1b: {  	s9 =	sadd.s32 $0xFFFFFEF7, lr;
	s5 =	simm.s32 $0xFFFFFFFF;
	p2 =	slt.u32 s8, $0xFFFFF086  }
0x1c: {  	p1 =	slt.u32 s9, $0xF7A;
	s5 =	simm.s32 @!p2 $0x0  }
0x1d: {  	s5 =	simm.s32 @p1 $0x1;
	p0 =	seq.s32 s7, s2  }
0x1e: {  	s7 =	smul.u32 @!p0 $0xF7A, s2;
	p2 =	seq.s32 @!p0 s5, $0x0  }
0x1f: {  	s9 =	smul.u32 $0xF7A, s1;
	s8 =	simm.s32 @!p0 $0x1BF5;
	p2 =	por !p2, p0  }
0x20: {  	[sflag:s8] =	ssyncset.s32 @!p0 $0xFFFFF086;
	s6 =	sadd.s32 @!p0 s3, s7;
	s7 =	simm.s32 @!p0 $0x108  }
0x21: {  	s3 =	sadd.s32 s3, s9;
	s6 =	sadd.s32 @!p0 $0x88, s6;
	s7 =	simm.s32 @p2 $0x1082  }
0x22: {  	[simem:s7], [sflag:s8] =	dma.local @!p0 [hbm:s6], $0xF7A  }
0x23: {  	s9 =	sor.u32 $0xD0000000, s2;
	s6 =	simm.s32 $0x108;
	_ =	swait.ge @!p0 [sflag:s8], $0x0  }
0x24: {  	s3 =	sadd.s32 $0x88, s3;
	s6 =	simm.s32 @!p1 $0x1082;
	[sflag:s4] =	ssyncset.s32 $0xFFFFF086  }
0x25: {  	[simem:s6], [sflag:s4] =	dma.local [hbm:s3], $0xF7A  }
0x26: {  	[smem:$0x3F9E] =	sst s1;
	(tag) =	ssettag s2;
	_ =	strace s9  }
0x27: {  	s1 =	sld [smem:$0x3FAE]  }
0x28: {  	s2 =	sld [smem:$0x3FAF]  }
0x29: {  	s4 =	sld [smem:$0x3FB1]  }
0x2a: {  	p0 =	seq.s32 s5, $0x0;
	s5 =	sld [smem:$0x3FB2]  }
0x2b: {  	s6 =	sld [smem:$0x3FB3]  }
0x2c: {  	s7 =	sld [smem:$0x3FB4]  }
0x2d: {  	s3 =	simm.s32 $0x108;
	s8 =	sld [smem:$0x3FB5]  }
0x2e: {  	s3 =	simm.s32 @!p0 $0x1082;
	s9 =	sld [smem:$0x3FB6]  }
0x2f: {  	lr =	sadd.s32 s0, s3;
	s0 =	sld [smem:$0x3FAD]  }
0x30: {  	s3 =	sld [smem:$0x3FB0]  }
0x31: {  	[smem:$0x3FB9] =	sst s10  }
0x32: {  	s10 =	sld [smem:$0x3FB7];
	_ =	sdelay $0x3  }
0x33: {  	p0 =	seq.s32 s10, $0x1;
	s10 =	sld [smem:$0x3FB9];
	_ =	sdelay $0x3  }
0x34: {  	[smem:$0x3FB9] =	sst s10  }
0x35: {  	s10 =	sld [smem:$0x3FB8];
	_ =	sdelay $0x3  }
0x36: {  	p1 =	seq.s32 s10, $0x1;
	s10 =	sld [smem:$0x3FB9];
	_ =	sdelay $0x3  }
0x37: {  	[smem:$0x3FB9] =	sst s10  }
0x38: {  	s10 =	sld [smem:$0x3FBA]  }
0x39: {  	_ = 	snop;
	(pc) =	sbr.ind lr, $3  }
0x3a: {  	_ = 	snop  }
0x3b: {  	_ = 	snop  }
0x3c: {  	p2 =	seq.s32 s10, $0x1;
	s10 =	sld [smem:$0x3FB9]  }
0x3d: {  	_ =	shalt  }
0x3e: {  	_ =	shalt  }
0x3f: {  	_ =	shalt  }
0x40: {  	_ =	shalt  }
0x41: {  	_ =	shalt  }
0x42: {  	_ =	shalt  }
0x43: {  	_ =	shalt  }
0x44: {  	_ =	shalt  }
0x45: {  	_ =	shalt  }
0x46: {  	_ =	shalt  }
0x47: {  	_ =	shalt  }
0x48: {  	_ =	shalt  }
0x49: {  	_ =	shalt  }
0x4a: {  	_ =	shalt  }
0x4b: {  	_ =	shalt  }
0x4c: {  	_ =	shalt  }
0x4d: {  	_ =	shalt  }
0x4e: {  	_ =	shalt  }
0x4f: {  	_ =	shalt  }
0x50: {  	_ =	shalt  }
0x51: {  	_ =	shalt  }
0x52: {  	_ =	shalt  }
0x53: {  	_ =	shalt  }
0x54: {  	_ =	shalt  }
0x55: {  	_ =	shalt  }
0x56: {  	_ =	shalt  }
0x57: {  	_ =	shalt  }
0x58: {  	_ =	shalt  }
0x59: {  	_ =	shalt  }
0x5a: {  	_ =	shalt  }
0x5b: {  	_ =	shalt  }
0x5c: {  	_ =	shalt  }
0x5d: {  	_ =	shalt  }
0x5e: {  	_ =	shalt  }
0x5f: {  	_ =	shalt  }
0x60: {  	_ =	shalt  }
0x61: {  	_ =	shalt  }
0x62: {  	_ =	shalt  }
0x63: {  	_ =	shalt  }
0x64: {  	_ =	shalt  }
0x65: {  	_ =	shalt  }
0x66: {  	_ =	shalt  }
0x67: {  	_ =	shalt  }
0x68: {  	_ =	shalt  }
0x69: {  	_ =	shalt  }
0x6a: {  	_ =	shalt  }
0x6b: {  	_ =	shalt  }
0x6c: {  	_ =	shalt  }
0x6d: {  	_ =	shalt  }
0x6e: {  	_ =	shalt  }
0x6f: {  	_ =	shalt  }
0x70: {  	_ =	shalt  }
0x71: {  	_ =	shalt  }
0x72: {  	_ =	shalt  }
0x73: {  	_ =	shalt  }
0x74: {  	_ =	shalt  }
0x75: {  	_ =	shalt  }
0x76: {  	_ =	shalt  }
0x77: {  	_ =	shalt  }
0x78: {  	_ =	shalt  }
0x79: {  	_ =	shalt  }
0x7a: {  	_ =	shalt  }
0x7b: {  	_ =	shalt  }
0x7c: {  	_ =	shalt  }
0x7d: {  	_ =	shalt  }
0x7e: {  	_ =	shalt  }
0x7f: {  	_ =	shalt  }
0x80: {  	_ =	shalt  }
0x81: {  	_ =	shalt  }
0x82: {  	_ =	shalt  }
0x83: {  	_ =	shalt  }
0x84: {  	_ =	shalt  }
0x85: {  	_ =	shalt  }
0x86: {  	_ =	shalt  }
0x87: {  	_ =	shalt  }
.Lfunc_end0:
.L_simem_size_0:
called_computation.3_lowered:
.L_overlay_start_0:
0x88: {  	s2 =	sld [smem:$0x3FD9]  }
0x89: {  	s3 =	sld [smem:$0x3FFE];
	_ =	sdelay $0x1  }
0x8a: {  	s1 =	srdreg.scid  }
0x8b: {  	s0 =	sand.u32 $0x1, s1  }
0x8c: {  	s17 =	sshll.u32 s0, $0xA;
	s2 =	sadd.s32 s3, s2  }
0x8d: {  	s2 =	sadd.s32 s2, s17  }
0x8e: {  	[smem:$0x3FC5] =	sst s2  }
0x8f: {  	_ = 	snop  }
0x90: {  	s2 =	sld [smem:$0x3FD0];
	(tm) =	ssettm $0x1  }
0x91: {  	s18 =	sld [smem:$0x3FFB];
	_ =	sdelay $0x3  }
0x92: {  	_ =	strace s18  }
0x93: {  	s3 =	sld [smem:$0x3FFC];
	_ =	sdelay $0x3  }
0x94: {  	_ =	strace s3  }
0x95: {  	s3 =	sld [smem:$0x3FFD];
	_ =	sdelay $0x3  }
0x96: {  	_ =	strace s3  }
0x97: {  	_ =	strace $0x8FFFFFFF  }
0x98: {  	s19 =	sld [smem:$0x3FDB];
	_ =	sdelay $0x1  }
0x99: {  	s4 =	simm.s32 $_scs_section_size  }
0x9a: {  	s5 =	simm.s32 $_size__tile_overlayer_lowered;
	s6 =	simm.s32 $_tile_overlayer_lowered  }
0x9b: {  	s22 =	simm.s32 $0x1BFF;
	s21 =	sshll.u32 s6, $0x1;
	s3 =	sadd.s32 s4, s19  }
0x9c: {  	s7 =	simm.s32 $0x0;
	s20 =	sshll.u32 s5, $0x1;
	s5 =	sadd.s32 s21, s3  }
0x9d: {  	[timem:s7], [sflag:s22] =	dma.local [hbm:s5], s20  }
0x9e: {  	_ =	swait.ge [sflag:s22], s20  }
0x9f: {  	s4 =	ssub.s32 $0x0, s20;
	[sflag:s22] =	ssyncset.done $0x0  }
0xa0: {  	[sflag:s22] =	ssyncadd.s32 s4;
	_ =	sdelay $0x1  }
0xa1: {  	s23 =	simm.s32 $0x1B8B  }
0xa2: {  	_ =	swait.ge [sflag:s23], $0x1  }
0xa3: {  	[sflag:s23] =	ssyncset.done $0x0  }
0xa4: {  	s25 =	simm.s32 $0x1B8E;
	s24 =	sld [smem:$0x3FFE];
	[sflag:s23] =	ssyncadd.s32 $0xFFFFFFFF  }
0xa5: {  	s26 =	simm.s32 $execute0_lowered;
	[smem:$0x3FD2] =	sst s25  }
0xa6: {  	s5 =	sshll.u32 s26, $0x1;
	_ =	strace $0x8000004F;
	[dreg:$0x1] =	wrdreg $0xFFFFFFFF  }
0xa7: {  	s28 =	simm.s32 $_size_execute0_lowered;
	s3 =	sadd.s32 s3, s5;
	[dreg:$0x0] =	wrdreg $0x0  }
0xa8: {  	s5 =	sshll.u32 s28, $0x1;
	[dreg:$0x2] =	wrdreg s3  }
0xa9: {  	[dreg:$0x3] =	wrdreg s5  }
0xaa: {  	[dreg:$0x4] =	wrdreg $0xC0  }
0xab: {  	_ =	task [dreg:s7], $0x5FFFF  }
0xac: {  	[dreg:$0x1] =	wrdreg $0xFFFFFFFF  }
0xad: {  	[dreg:$0x0] =	wrdreg $0x60  }
0xae: {  	[dreg:$0x2] =	wrdreg s24  }
0xaf: {  	[dreg:$0x3] =	wrdreg s2  }
0xb0: {  	[dreg:$0x4] =	wrdreg $0x9  }
0xb1: {  	_ =	task.clear_ibuf [dreg:s7], $0x5FFFF;
	_ =	strace $0x9000004F  }
0xb2: {  	s29 =	simm.s32 $0x9;
	_ =	strace $0x80000051  }
0xb3: {  	_ =	swait.ge [sflag:s29], $0x1  }
0xb4: {  	[sflag:s29] =	ssyncadd.s32 $0xFFFFFFFF  }
0xb5: {  	_ =	strace $0x90000051  }
0xb6: {  	_ =	sfence  }
0xb7: {  	s30 =	sld [smem:$0x0];
	_ =	sdelay $0x2  }
0xb8: {  	s31 =	sshll.u32 s1, $0xD;
	s1 =	sshrl.u32 s1, $0x2  }
0xb9: {  	s3 =	sand.u32 $0x4000, s31;
	s1 =	sadd.s32 s1, s30  }
0xba: {  	s0 =	sor.u32 s3, s0;
	s1 =	sshll.u32 s1, $0x11  }
0xbb: {  	s0 =	sor.u32 s1, s0  }
0xbc: {  	s0 =	sadd.s32 $0x8F2B, s0  }
0xbd: {  	[sflag:s0] =	ssyncadd.remote.s32 $0x1  }
0xbe: {  	_ =	sfence.sel $0xFFFF  }
0xbf: {  	[dreg:$0x0] =	wrdreg $0xFFFFFFFF;
	(pc) =	sbr.abs _section_cstart, $3  }
0xc0: {  	[dreg:$0x1] =	wrdreg $0xFFFFFFFF  }
0xc1: {  	_ =	task.clear_ibuf [dreg:s7], $0x2FFFF;
	_ =	strace $0x9FFFFFFF  }
0xc2: {  	(tm) =	ssettm $0x7FFFFFFF  }
0xc3: {  	_ =	shalt  }
tec
execute0_lowered:
.L_overlay_start_1:
0x0: {  	(tag) =	ssettag $0x1  }
0x1: {  	s1 =	srdreg.scid;
	s5 =	rddreg [dreg:$0x0]  }
0x2: {  	s0 =	stileid.u32;
	s6 =	rddreg [dreg:$0x1];
	s11 =	simm.s32 $0x1  }
0x3: {  	s12 =	simm.s32 $0x1C00;
	s3 =	sand.u32 $0x1, s1;
	s29 =	sshll.u32 s0, $0x1  }
0x4: {  	s13 =	simm.s32 $0x0;
	s30 =	sshrl.u32 s0, $0x2;
	s4 =	sor.u32 s3, s29  }
0x5: {  	s1 =	smul.u32 $0x1A000, s30;
	s8 =	ssub.s32 $0x2, s3;
	s2 =	sshll.u32 s4, $0x7  }
0x6: {  	s3 =	sadd.s32 $0x33400, s5;
	s9 =	sshll.u32 s4, $0x6;
	s2 =	sand.u32 $0x380, s2  }
0x7: {  	s31 =	sshrl.u32 s8, $0x1;
	s10 =	sadd.s32 s9, s5;
	s7 =	sor.u32 s2, s1  }
0x8: {  	s1 =	rddreg [dreg:$0x2];
	s2 =	simm.s32 $0x0;
	s7 =	sadd.s32 $0xC000, s7  }
0x9: {  	s8 =	ssub.s32 s8, s31;
	[smem:$0x7FF] =	sst s2;
	s7 =	sshrl.u32 s7, $0x3  }
0xa: {  	_ =	strace $0x80000050;
	s7 =	sadd.s32 s7, s5;
	s5 =	sadd.s32 s6, s9  }
0xb: {  	s6 =	sadd.s32 $0xE000, s10;
	s9 =	simm.s32 $0x400;
	s10 =	simm.s32 $0x2  }
0xc: {  	s4 =	sadd.s32 $0x1000, s7;
	s7 =	smax.u32 s8, $0x1;
	s8 =	simm.s32 $0x80  }
.LBB2_1:
0xd: {  	[tilespmem:s2], [sflag:$0x2] =	stream.strided.gather [hbm4b:s4+s8], $0xE00, s9, s8, $0x38;
	[tilespmem:$0x1E00] =	vst v63  }
0xe: {  	_ =	swait.ge [sflag:s10], $0xE00  }
0xf: {  	[sflag:s10] =	ssyncset.done $0x0  }
0x10: {  	[sflag:s10] =	ssyncadd.s32 $0xFFFFF200  }
0x11: {  	[tilespmem:s12], [sflag:$0x2] =	stream.linear.gather [hbm4b:s5+s2], $0x200, $0x38;
	[tilespmem:$0x1E00] =	vst v63  }
0x12: {  	_ =	swait.ge [sflag:s10], $0x200  }
0x13: {  	[sflag:s10] =	ssyncset.done $0x0  }
0x14: {  	s15 =	simm.s32 $0xE00;
	[sflag:s10] =	ssyncadd.s32 $0xFFFFFE00  }
0x15: {  	[tilespmem:s15], [sflag:$0x1] =	stream.indirect.gather [hbm4b:s3+s15], $0x1, s2, s15, $0xb8;
	[tilespmem:$0x1E00] =	vst v63  }
0x16: {  	_ =	swait.ge [sflag:s11], $0xE00  }
0x17: {  	[sflag:s11] =	ssyncset.done $0x0  }
0x18: {  	[sflag:s11] =	ssyncadd.s32 $0xFFFFF200  }
0x19: {  	v0 =	vld [tilespmem:s15+$0x0]  }
0x1a: {  	s16 =	simm.s32 $0x10;
	s17 =	simm.s32 $0x0;
	s14 =	simm.s32 $0x1C00;
	v1 =	vld [tilespmem:s12+$0x0]  }
.LBB2_2:
0x1b: {  	p0 =	sne.s32 s16, $0x1F0;
	s18 =	sand.u32 $0x1F0, s17;
	s17 =	smov.u32 s16  }
0x1c: {  	v2 =	vld [tilespmem:s18+$0x1000];
	_ =	sdelay $0x1  }
0x1d: {  	v3 =	vld [tilespmem:s18+$0x1200]  }
0x1e: {  	v0 =	vadd.f32 v0, v1  }
0x1f: {  	v1 =	vld [tilespmem:s18+$0x1400]  }
0x20: {  	v0 =	vadd.f32 v2, v0  }
0x21: {  	v2 =	vld [tilespmem:s18+$0x1600]  }
0x22: {  	v0 =	vadd.f32 v3, v0  }
0x23: {  	v3 =	vld [tilespmem:s18+$0x1800]  }
0x24: {  	v0 =	vadd.f32 v1, v0  }
0x25: {  	v1 =	vld [tilespmem:s18+$0x1A00]  }
0x26: {  	v0 =	vadd.f32 v2, v0;
	_ =	sdelay $0x1  }
0x27: {  	v0 =	vadd.f32 v3, v0;
	_ =	sdelay $0x1  }
.Ltmp0:
0x28: {  	v0 =	vadd.f32 v1, v0;
	(pc) =	sbr.rel @p0 .LBB2_2-.Ltmp0, $4  }
0x29: {  	_ = 	snop  }
0x2a: {  	s15 =	sadd.s32 $0x10, s15;
	[tilespmem:s14+$0x0] =	vst v0  }
0x2b: {  	s14 =	sadd.s32 $0x10, s14;
	v0 =	vld [tilespmem:s15+$0x0]  }
0x2c: {  	s16 =	sadd.s32 $0x10, s16;
	v1 =	vld [tilespmem:s14+$0x0]  }
0x2d: {  	s15 =	sand.u32 $0x1F0, s17  }
0x2e: {  	v2 =	vld [tilespmem:s15+$0x1000];
	_ =	sdelay $0x1  }
0x2f: {  	v3 =	vld [tilespmem:s15+$0x1200]  }
0x30: {  	v0 =	vadd.f32 v0, v1  }
0x31: {  	v60 =	vld [tilespmem:s15+$0x1400]  }
0x32: {  	v0 =	vadd.f32 v2, v0  }
0x33: {  	v61 =	vld [tilespmem:s15+$0x1600]  }
0x34: {  	v0 =	vadd.f32 v3, v0  }
0x35: {  	v62 =	vld [tilespmem:s15+$0x1800]  }
0x36: {  	v0 =	vadd.f32 v60, v0  }
0x37: {  	v63 =	vld [tilespmem:s15+$0x1A00]  }
0x38: {  	v0 =	vadd.f32 v61, v0;
	_ =	sdelay $0x1  }
0x39: {  	v0 =	vadd.f32 v62, v0;
	_ =	sdelay $0x1  }
0x3a: {  	s13 =	sadd.s32 $0x1, s13;
	v0 =	vadd.f32 v63, v0  }
0x3b: {  	p0 =	sne.s32 s13, s7  }
.Ltmp1:
0x3c: {  	[tilespmem:s14+$0x0] =	vst v0;
	(pc) =	sbr.rel @p0 .LBB2_1-.Ltmp1, $4  }
0x3d: {  	[hbm4b:s6+s2] =	stream.linear.scatter [tilespmem:s12], [sflag:$0x2], $0x200, $0x38;
	[tilespmem:$0x1E00] =	vst v63  }
0x3e: {  	_ =	swait.ge [sflag:s10], $0x200  }
0x3f: {  	[sflag:s10] =	ssyncset.done $0x0  }
0x40: {  	[sflag:s10] =	ssyncadd.s32 $0xFFFFFE00  }
0x41: {  	_ =	sfence.sel $0x180000  }
0x42: {  	[bflag:$0x0] =	sbarrier.arrive $0xFFFF  }
0x43: {  	p0 =	sne.s32 s0, $0x0;
	_ =	strace $0x90000050  }
0x44: {  	s0 =	sadd.s32 @!p0 $0x100000, s1;
	[bflag:$0x2] =	sbarrier.arrive $0xFFFF  }
0x45: {  	[sflag:s0] =	ssyncadd.tile.s32 @!p0 $0x1;
	_ =	shalt  }
.Lfunc_end2:
_tile_overlayer_lowered:
.L_overlay_start_2:
0x46: {  	(tag) =	ssettag $0x2  }
0x47: {  	s0 =	rddreg [dreg:$0x0];
	s2 =	stileid.u32  }
0x48: {  	s1 =	rddreg [dreg:$0x1];
	p0 =	sne.s32 s2, $0x0  }
0x49: {  	s3 =	rddreg [dreg:$0x2];
	[bflag:$0x3] =	sbarrier.arrive $0xFFFF;
	s2 =	simm.s32 @!p0 $0x1C02  }
0x4a: {  	[timem:s3], [sflag:s2] =	dma.local @!p0 [hbm:s0], s1  }
0x4b: {  	s0 =	simm.s32 @!p0 $0x2  }
0x4c: {  	_ =	swait.ge @!p0 [sflag:s0], s1  }
0x4d: {  	s1 =	ssub.s32 @!p0 $0x0, s1;
	[sflag:s0] =	ssyncset.done @!p0 $0x0  }
0x4e: {  	[sflag:s0] =	ssyncadd.s32 @!p0 s1  }
0x4f: {  	[bflag:$0x3] =	sbarrier.arrive $0xFFFF  }
0x50: {  	_ =	shalt  }

// kernel: kernel.19.cloned.1.call-start
scs
__scs_entry_jumppad:
0x0: {  	(pc) =	sbr.rel $0x88, $3  }
0x1: {  	(tag) =	ssettag $0x0;
	lr =	simm.s32 $0x1  }
0x2: {  	[smem:$0x3F9E] =	sst lr;
	_ =	strace $0xD0000000  }
0x3: {  	_ = 	snop  }
0x4: {  	_ = 	snop  }
0x5: {  	_ = 	snop  }
0x6: {  	_ = 	snop  }
0x7: {  	_ = 	snop  }
__scs_overlays_trampoline_lowered:
0x8: {  	[smem:$0x3FAD] =	sst s0  }
0x9: {  	[smem:$0x3FAE] =	sst s1  }
0xa: {  	[smem:$0x3FAF] =	sst s2  }
0xb: {  	[smem:$0x3FB0] =	sst s3  }
0xc: {  	[smem:$0x3FB1] =	sst s4  }
0xd: {  	[smem:$0x3FB2] =	sst s5  }
0xe: {  	[smem:$0x3FB3] =	sst s6  }
0xf: {  	[smem:$0x3FB4] =	sst s7  }
0x10: {  	[smem:$0x3FB5] =	sst s8  }
0x11: {  	[smem:$0x3FB6] =	sst s9;
	s0 =	simm.s32 @!p0 $0x0  }
0x12: {  	s1 =	sld [smem:$0x3F9C];
	s0 =	simm.s32 @p0 $0x1  }
0x13: {  	[smem:$0x3FB7] =	sst s0;
	s0 =	simm.s32 @!p1 $0x0  }
0x14: {  	s2 =	sld [smem:$0x3F9B];
	s0 =	simm.s32 @p1 $0x1  }
0x15: {  	[smem:$0x3FB8] =	sst s0;
	s0 =	simm.s32 @!p2 $0x0  }
0x16: {  	s3 =	sld [smem:$0x3FDB];
	s0 =	simm.s32 @p2 $0x1  }
0x17: {  	s4 =	simm.s32 $0x1BF5;
	[smem:$0x3FBA] =	sst s0  }
0x18: {  	s0 =	sld [smem:$0x3F9D];
	_ =	swait.ge [sflag:s4], $0x0  }
0x19: {  	s7 =	sld [smem:$0x3F9E]  }
0x1a: {  	s8 =	sadd.s32 $0xFFFFE003, lr  }
0x1b: {  	s9 =	sadd.s32 $0xFFFFFEF7, lr;
	s5 =	simm.s32 $0xFFFFFFFF;
	p2 =	slt.u32 s8, $0xFFFFF086  }
0x1c: {  	p1 =	slt.u32 s9, $0xF7A;
	s5 =	simm.s32 @!p2 $0x0  }
0x1d: {  	s5 =	simm.s32 @p1 $0x1;
	p0 =	seq.s32 s7, s2  }
0x1e: {  	s7 =	smul.u32 @!p0 $0xF7A, s2;
	p2 =	seq.s32 @!p0 s5, $0x0  }
0x1f: {  	s9 =	smul.u32 $0xF7A, s1;
	s8 =	simm.s32 @!p0 $0x1BF5;
	p2 =	por !p2, p0  }
0x20: {  	[sflag:s8] =	ssyncset.s32 @!p0 $0xFFFFF086;
	s6 =	sadd.s32 @!p0 s3, s7;
	s7 =	simm.s32 @!p0 $0x108  }
0x21: {  	s3 =	sadd.s32 s3, s9;
	s6 =	sadd.s32 @!p0 $0x88, s6;
	s7 =	simm.s32 @p2 $0x1082  }
0x22: {  	[simem:s7], [sflag:s8] =	dma.local @!p0 [hbm:s6], $0xF7A  }
0x23: {  	s9 =	sor.u32 $0xD0000000, s2;
	s6 =	simm.s32 $0x108;
	_ =	swait.ge @!p0 [sflag:s8], $0x0  }
0x24: {  	s3 =	sadd.s32 $0x88, s3;
	s6 =	simm.s32 @!p1 $0x1082;
	[sflag:s4] =	ssyncset.s32 $0xFFFFF086  }
0x25: {  	[simem:s6], [sflag:s4] =	dma.local [hbm:s3], $0xF7A  }
0x26: {  	[smem:$0x3F9E] =	sst s1;
	(tag) =	ssettag s2;
	_ =	strace s9  }
0x27: {  	s1 =	sld [smem:$0x3FAE]  }
0x28: {  	s2 =	sld [smem:$0x3FAF]  }
0x29: {  	s4 =	sld [smem:$0x3FB1]  }
0x2a: {  	p0 =	seq.s32 s5, $0x0;
	s5 =	sld [smem:$0x3FB2]  }
0x2b: {  	s6 =	sld [smem:$0x3FB3]  }
0x2c: {  	s7 =	sld [smem:$0x3FB4]  }
0x2d: {  	s3 =	simm.s32 $0x108;
	s8 =	sld [smem:$0x3FB5]  }
0x2e: {  	s3 =	simm.s32 @!p0 $0x1082;
	s9 =	sld [smem:$0x3FB6]  }
0x2f: {  	lr =	sadd.s32 s0, s3;
	s0 =	sld [smem:$0x3FAD]  }
0x30: {  	s3 =	sld [smem:$0x3FB0]  }
0x31: {  	[smem:$0x3FB9] =	sst s10  }
0x32: {  	s10 =	sld [smem:$0x3FB7];
	_ =	sdelay $0x3  }
0x33: {  	p0 =	seq.s32 s10, $0x1;
	s10 =	sld [smem:$0x3FB9];
	_ =	sdelay $0x3  }
0x34: {  	[smem:$0x3FB9] =	sst s10  }
0x35: {  	s10 =	sld [smem:$0x3FB8];
	_ =	sdelay $0x3  }
0x36: {  	p1 =	seq.s32 s10, $0x1;
	s10 =	sld [smem:$0x3FB9];
	_ =	sdelay $0x3  }
0x37: {  	[smem:$0x3FB9] =	sst s10  }
0x38: {  	s10 =	sld [smem:$0x3FBA]  }
0x39: {  	_ = 	snop;
	(pc) =	sbr.ind lr, $3  }
0x3a: {  	_ = 	snop  }
0x3b: {  	_ = 	snop  }
0x3c: {  	p2 =	seq.s32 s10, $0x1;
	s10 =	sld [smem:$0x3FB9]  }
0x3d: {  	_ =	shalt  }
0x3e: {  	_ =	shalt  }
0x3f: {  	_ =	shalt  }
0x40: {  	_ =	shalt  }
0x41: {  	_ =	shalt  }
0x42: {  	_ =	shalt  }
0x43: {  	_ =	shalt  }
0x44: {  	_ =	shalt  }
0x45: {  	_ =	shalt  }
0x46: {  	_ =	shalt  }
0x47: {  	_ =	shalt  }
0x48: {  	_ =	shalt  }
0x49: {  	_ =	shalt  }
0x4a: {  	_ =	shalt  }
0x4b: {  	_ =	shalt  }
0x4c: {  	_ =	shalt  }
0x4d: {  	_ =	shalt  }
0x4e: {  	_ =	shalt  }
0x4f: {  	_ =	shalt  }
0x50: {  	_ =	shalt  }
0x51: {  	_ =	shalt  }
0x52: {  	_ =	shalt  }
0x53: {  	_ =	shalt  }
0x54: {  	_ =	shalt  }
0x55: {  	_ =	shalt  }
0x56: {  	_ =	shalt  }
0x57: {  	_ =	shalt  }
0x58: {  	_ =	shalt  }
0x59: {  	_ =	shalt  }
0x5a: {  	_ =	shalt  }
0x5b: {  	_ =	shalt  }
0x5c: {  	_ =	shalt  }
0x5d: {  	_ =	shalt  }
0x5e: {  	_ =	shalt  }
0x5f: {  	_ =	shalt  }
0x60: {  	_ =	shalt  }
0x61: {  	_ =	shalt  }
0x62: {  	_ =	shalt  }
0x63: {  	_ =	shalt  }
0x64: {  	_ =	shalt  }
0x65: {  	_ =	shalt  }
0x66: {  	_ =	shalt  }
0x67: {  	_ =	shalt  }
0x68: {  	_ =	shalt  }
0x69: {  	_ =	shalt  }
0x6a: {  	_ =	shalt  }
0x6b: {  	_ =	shalt  }
0x6c: {  	_ =	shalt  }
0x6d: {  	_ =	shalt  }
0x6e: {  	_ =	shalt  }
0x6f: {  	_ =	shalt  }
0x70: {  	_ =	shalt  }
0x71: {  	_ =	shalt  }
0x72: {  	_ =	shalt  }
0x73: {  	_ =	shalt  }
0x74: {  	_ =	shalt  }
0x75: {  	_ =	shalt  }
0x76: {  	_ =	shalt  }
0x77: {  	_ =	shalt  }
0x78: {  	_ =	shalt  }
0x79: {  	_ =	shalt  }
0x7a: {  	_ =	shalt  }
0x7b: {  	_ =	shalt  }
0x7c: {  	_ =	shalt  }
0x7d: {  	_ =	shalt  }
0x7e: {  	_ =	shalt  }
0x7f: {  	_ =	shalt  }
0x80: {  	_ =	shalt  }
0x81: {  	_ =	shalt  }
0x82: {  	_ =	shalt  }
0x83: {  	_ =	shalt  }
0x84: {  	_ =	shalt  }
0x85: {  	_ =	shalt  }
0x86: {  	_ =	shalt  }
0x87: {  	_ =	shalt  }
.Lfunc_end0:
.L_simem_size_0:
called_computation.4_lowered:
.L_overlay_start_0:
0x88: {  	s2 =	sld [smem:$0x3FD9]  }
0x89: {  	s3 =	sld [smem:$0x3FFE];
	_ =	sdelay $0x1  }
0x8a: {  	s1 =	srdreg.scid  }
0x8b: {  	s0 =	sand.u32 $0x1, s1  }
0x8c: {  	s17 =	sshll.u32 s0, $0xA;
	s2 =	sadd.s32 s3, s2  }
0x8d: {  	s2 =	sadd.s32 s2, s17  }
0x8e: {  	[smem:$0x3FC5] =	sst s2  }
0x8f: {  	_ = 	snop  }
0x90: {  	s2 =	sld [smem:$0x3FD0];
	(tm) =	ssettm $0x1  }
0x91: {  	s18 =	sld [smem:$0x3FFB];
	_ =	sdelay $0x3  }
0x92: {  	_ =	strace s18  }
0x93: {  	s3 =	sld [smem:$0x3FFC];
	_ =	sdelay $0x3  }
0x94: {  	_ =	strace s3  }
0x95: {  	s3 =	sld [smem:$0x3FFD];
	_ =	sdelay $0x3  }
0x96: {  	_ =	strace s3  }
0x97: {  	_ =	strace $0x8FFFFFFF  }
0x98: {  	s19 =	sld [smem:$0x3FDB];
	_ =	sdelay $0x1  }
0x99: {  	s4 =	simm.s32 $_scs_section_size  }
0x9a: {  	s5 =	simm.s32 $_size__tile_overlayer_lowered;
	s6 =	simm.s32 $_tile_overlayer_lowered  }
0x9b: {  	s22 =	simm.s32 $0x1BFF;
	s21 =	sshll.u32 s6, $0x1;
	s3 =	sadd.s32 s4, s19  }
0x9c: {  	s7 =	simm.s32 $0x0;
	s20 =	sshll.u32 s5, $0x1;
	s5 =	sadd.s32 s21, s3  }
0x9d: {  	[timem:s7], [sflag:s22] =	dma.local [hbm:s5], s20  }
0x9e: {  	_ =	swait.ge [sflag:s22], s20  }
0x9f: {  	s4 =	ssub.s32 $0x0, s20;
	[sflag:s22] =	ssyncset.done $0x0  }
0xa0: {  	[sflag:s22] =	ssyncadd.s32 s4;
	_ =	sdelay $0x1  }
0xa1: {  	s23 =	simm.s32 $0x1B8B  }
0xa2: {  	_ =	swait.ge [sflag:s23], $0x1  }
0xa3: {  	[sflag:s23] =	ssyncset.done $0x0  }
0xa4: {  	s25 =	simm.s32 $0x1B8E;
	s24 =	sld [smem:$0x3FFE];
	[sflag:s23] =	ssyncadd.s32 $0xFFFFFFFF  }
0xa5: {  	s26 =	simm.s32 $execute0_lowered;
	[smem:$0x3FD2] =	sst s25  }
0xa6: {  	s5 =	sshll.u32 s26, $0x1;
	_ =	strace $0x80000052;
	[dreg:$0x1] =	wrdreg $0xFFFFFFFF  }
0xa7: {  	s28 =	simm.s32 $_size_execute0_lowered;
	s3 =	sadd.s32 s3, s5;
	[dreg:$0x0] =	wrdreg $0x0  }
0xa8: {  	s5 =	sshll.u32 s28, $0x1;
	[dreg:$0x2] =	wrdreg s3  }
0xa9: {  	[dreg:$0x3] =	wrdreg s5  }
0xaa: {  	[dreg:$0x4] =	wrdreg $0xC0  }
0xab: {  	_ =	task [dreg:s7], $0x5FFFF  }
0xac: {  	[dreg:$0x1] =	wrdreg $0xFFFFFFFF  }
0xad: {  	[dreg:$0x0] =	wrdreg $0x60  }
0xae: {  	[dreg:$0x2] =	wrdreg s24  }
0xaf: {  	[dreg:$0x3] =	wrdreg s2  }
0xb0: {  	[dreg:$0x4] =	wrdreg $0x9  }
0xb1: {  	_ =	task.clear_ibuf [dreg:s7], $0x5FFFF;
	_ =	strace $0x90000052  }
0xb2: {  	s29 =	simm.s32 $0x9;
	_ =	strace $0x80000054  }
0xb3: {  	_ =	swait.ge [sflag:s29], $0x1  }
0xb4: {  	[sflag:s29] =	ssyncadd.s32 $0xFFFFFFFF  }
0xb5: {  	_ =	strace $0x90000054  }
0xb6: {  	_ =	sfence  }
0xb7: {  	s30 =	sld [smem:$0x0];
	_ =	sdelay $0x2  }
0xb8: {  	s31 =	sshll.u32 s1, $0xD;
	s1 =	sshrl.u32 s1, $0x2  }
0xb9: {  	s3 =	sand.u32 $0x4000, s31;
	s1 =	sadd.s32 s1, s30  }
0xba: {  	s0 =	sor.u32 s3, s0;
	s1 =	sshll.u32 s1, $0x11  }
0xbb: {  	s0 =	sor.u32 s1, s0  }
0xbc: {  	s0 =	sadd.s32 $0x8F2B, s0  }
0xbd: {  	[sflag:s0] =	ssyncadd.remote.s32 $0x1  }
0xbe: {  	_ =	sfence.sel $0xFFFF  }
0xbf: {  	[dreg:$0x0] =	wrdreg $0xFFFFFFFF;
	(pc) =	sbr.abs _section_cstart, $3  }
0xc0: {  	[dreg:$0x1] =	wrdreg $0xFFFFFFFF  }
0xc1: {  	_ =	task.clear_ibuf [dreg:s7], $0x2FFFF;
	_ =	strace $0x9FFFFFFF  }
0xc2: {  	(tm) =	ssettm $0x7FFFFFFF  }
0xc3: {  	_ =	shalt  }
tec
execute0_lowered:
.L_overlay_start_1:
0x0: {  	(tag) =	ssettag $0x1  }
0x1: {  	s1 =	srdreg.scid;
	s6 =	rddreg [dreg:$0x0]  }
0x2: {  	s0 =	stileid.u32;
	s7 =	rddreg [dreg:$0x1]  }
0x3: {  	s12 =	simm.s32 $0x1E00;
	s13 =	simm.s32 $0x1;
	s14 =	simm.s32 $0x1C00  }
0x4: {  	s4 =	sand.u32 $0x1, s1;
	s28 =	sshll.u32 s0, $0x1;
	s29 =	sshrl.u32 s0, $0x2  }
0x5: {  	s15 =	simm.s32 $0x0;
	s5 =	sor.u32 s4, s28;
	s1 =	smul.u32 $0x1A000, s29  }
0x6: {  	s30 =	ssub.s32 $0x2, s4;
	s4 =	sadd.s32 $0xEA00, s6;
	s2 =	sshll.u32 s5, $0x7  }
0x7: {  	s9 =	sshll.u32 s5, $0x6;
	s31 =	sshrl.u32 s30, $0x1;
	s2 =	sand.u32 $0x380, s2  }
0x8: {  	s10 =	sadd.s32 s9, s6;
	s11 =	ssub.s32 s30, s31;
	s3 =	sor.u32 s2, s1  }
0x9: {  	s7 =	sadd.s32 s7, s9;
	s2 =	simm.s32 $0x0;
	s3 =	sadd.s32 $0x13000, s3  }
0xa: {  	s9 =	simm.s32 $0x80;
	[smem:$0x7FF] =	sst s2;
	s3 =	sshrl.u32 s3, $0x3  }
0xb: {  	s1 =	rddreg [dreg:$0x2];
	_ =	strace $0x80000053;
	s8 =	sadd.s32 s3, s6  }
0xc: {  	s3 =	sadd.s32 $0x48A00, s6;
	s6 =	sadd.s32 $0xE000, s10;
	s10 =	simm.s32 $0x400  }
0xd: {  	s5 =	sadd.s32 $0x1000, s8;
	s8 =	smax.u32 s11, $0x1;
	s11 =	simm.s32 $0x2  }
.LBB2_1:
0xe: {  	[tilespmem:s2], [sflag:$0x2] =	stream.strided.gather [hbm4b:s5+s9], $0xE00, s10, s9, $0x38;
	[tilespmem:$0x1E80] =	vst v63  }
0xf: {  	_ =	swait.ge [sflag:s11], $0xE00  }
0x10: {  	[sflag:s11] =	ssyncset.done $0x0  }
0x11: {  	[sflag:s11] =	ssyncadd.s32 $0xFFFFF200  }
0x12: {  	[tilespmem:s14], [sflag:$0x2] =	stream.linear.gather [hbm4b:s6+s2], $0x200, $0x38;
	[tilespmem:$0x1E80] =	vst v63  }
0x13: {  	_ =	swait.ge [sflag:s11], $0x200  }
0x14: {  	[sflag:s11] =	ssyncset.done $0x0  }
0x15: {  	[sflag:s11] =	ssyncadd.s32 $0xFFFFFE00  }
0x16: {  	[tilespmem:s12], [sflag:$0x2] =	stream.linear.gather [hbm4b:s4+s2], $0x80, $0x38;
	[tilespmem:$0x1E80] =	vst v63  }
0x17: {  	_ =	swait.ge [sflag:s11], $0x80  }
0x18: {  	[sflag:s11] =	ssyncset.done $0x0  }
0x19: {  	s17 =	simm.s32 $0xE00;
	[sflag:s11] =	ssyncadd.s32 $0xFFFFFF80  }
0x1a: {  	[tilespmem:s17], [sflag:$0x1] =	stream.indirect.gather [hbm4b:s3+s17], $0x1, s2, s17, $0xb8;
	[tilespmem:$0x1E80] =	vst v63  }
0x1b: {  	_ =	swait.ge [sflag:s13], $0xE00  }
0x1c: {  	[sflag:s13] =	ssyncset.done $0x0  }
0x1d: {  	[sflag:s13] =	ssyncadd.s32 $0xFFFFF200  }
0x1e: {  	v0 =	vld [tilespmem:$0x1E00]  }
0x1f: {  	v1 =	vld [tilespmem:s17+$0x0]  }
0x20: {  	s18 =	simm.s32 $0x10;
	s19 =	simm.s32 $0x0;
	s16 =	simm.s32 $0x1C00;
	v2 =	vld [tilespmem:s14+$0x0]  }
.LBB2_2:
0x21: {  	p0 =	sne.s32 s18, $0x1F0;
	s20 =	sand.u32 $0x1F0, s19;
	s19 =	smov.u32 s18  }
0x22: {  	v3 =	vld [tilespmem:s20+$0x1000];
	_ =	sdelay $0x1  }
0x23: {  	v4 =	vld [tilespmem:s20+$0x1200]  }
0x24: {  	v1 =	vadd.f32 v1, v2  }
0x25: {  	v2 =	vld [tilespmem:s20+$0x1400]  }
0x26: {  	v1 =	vadd.f32 v3, v1  }
0x27: {  	v3 =	vld [tilespmem:s20+$0x1600]  }
0x28: {  	v1 =	vadd.f32 v4, v1  }
0x29: {  	v4 =	vld [tilespmem:s20+$0x1800]  }
0x2a: {  	v1 =	vadd.f32 v2, v1  }
0x2b: {  	v2 =	vld [tilespmem:s20+$0x1A00]  }
0x2c: {  	v1 =	vadd.f32 v3, v1;
	_ =	sdelay $0x1  }
0x2d: {  	v1 =	vadd.f32 v4, v1;
	_ =	sdelay $0x1  }
0x2e: {  	v1 =	vadd.f32 v2, v1;
	_ =	sdelay $0x1  }
0x2f: {  	v1 =	vadd.f32 v1, v0;
	_ =	sdelay $0x1  }
0x30: {  	v1 =	vsub.f32 $0.0e+00, v1;
	_ =	sdelay $0x1  }
0x31: {  	v1 =	vmul.f32 $1.442695020e+00, v1;
	_ =	sdelay $0x1  }
0x32: {  	(erf) = vpow2.f32 v1;
	_ =	sdelay $0x8  }
0x33: {  	v1 =	vpop (erf)  }
0x34: {  	v1 =	vadd.f32 $1.000000000e+00, v1;
	_ =	sdelay $0x1  }
0x35: {  	(erf) = vrcp.f32 v1;
	_ =	sdelay $0x7  }
.Ltmp0:
0x36: {  	(pc) =	sbr.rel @p0 .LBB2_2-.Ltmp0, $4  }
0x37: {  	v1 =	vpop (erf)  }
0x38: {  	s17 =	sadd.s32 $0x10, s17;
	[tilespmem:s16+$0x0] =	vst v1  }
0x39: {  	s16 =	sadd.s32 $0x10, s16;
	v1 =	vld [tilespmem:s17+$0x0]  }
0x3a: {  	s18 =	sadd.s32 $0x10, s18;
	v2 =	vld [tilespmem:s16+$0x0]  }
0x3b: {  	s17 =	sand.u32 $0x1F0, s19  }
0x3c: {  	v3 =	vld [tilespmem:s17+$0x1000];
	_ =	sdelay $0x1  }
0x3d: {  	v4 =	vld [tilespmem:s17+$0x1200]  }
0x3e: {  	v1 =	vadd.f32 v1, v2  }
0x3f: {  	v60 =	vld [tilespmem:s17+$0x1400]  }
0x40: {  	v1 =	vadd.f32 v3, v1  }
0x41: {  	v61 =	vld [tilespmem:s17+$0x1600]  }
0x42: {  	v1 =	vadd.f32 v4, v1  }
0x43: {  	v62 =	vld [tilespmem:s17+$0x1800]  }
0x44: {  	v1 =	vadd.f32 v60, v1  }
0x45: {  	v63 =	vld [tilespmem:s17+$0x1A00]  }
0x46: {  	v1 =	vadd.f32 v61, v1;
	_ =	sdelay $0x1  }
0x47: {  	v1 =	vadd.f32 v62, v1;
	_ =	sdelay $0x1  }
0x48: {  	v1 =	vadd.f32 v63, v1;
	_ =	sdelay $0x1  }
0x49: {  	v0 =	vadd.f32 v1, v0;
	_ =	sdelay $0x1  }
0x4a: {  	v0 =	vsub.f32 $0.0e+00, v0;
	_ =	sdelay $0x1  }
0x4b: {  	v0 =	vmul.f32 $1.442695020e+00, v0;
	_ =	sdelay $0x1  }
0x4c: {  	(erf) = vpow2.f32 v0;
	_ =	sdelay $0x8  }
0x4d: {  	v0 =	vpop (erf)  }
0x4e: {  	v0 =	vadd.f32 $1.000000000e+00, v0;
	_ =	sdelay $0x1  }
0x4f: {  	(erf) = vrcp.f32 v0;
	_ =	sdelay $0x7  }
0x50: {  	s15 =	sadd.s32 $0x1, s15  }
0x51: {  	p0 =	sne.s32 s15, s8;
	v0 =	vpop (erf)  }
.Ltmp1:
0x52: {  	[tilespmem:s16+$0x0] =	vst v0;
	(pc) =	sbr.rel @p0 .LBB2_1-.Ltmp1, $4  }
0x53: {  	[hbm4b:s7+s2] =	stream.linear.scatter [tilespmem:s14], [sflag:$0x2], $0x200, $0x38;
	[tilespmem:$0x1E80] =	vst v63  }
0x54: {  	_ =	swait.ge [sflag:s11], $0x200  }
0x55: {  	[sflag:s11] =	ssyncset.done $0x0  }
0x56: {  	[sflag:s11] =	ssyncadd.s32 $0xFFFFFE00  }
0x57: {  	_ =	sfence.sel $0x180000  }
0x58: {  	[bflag:$0x0] =	sbarrier.arrive $0xFFFF  }
0x59: {  	p0 =	sne.s32 s0, $0x0;
	_ =	strace $0x90000053  }
0x5a: {  	s0 =	sadd.s32 @!p0 $0x100000, s1;
	[bflag:$0x2] =	sbarrier.arrive $0xFFFF  }
0x5b: {  	[sflag:s0] =	ssyncadd.tile.s32 @!p0 $0x1;
	_ =	shalt  }
.Lfunc_end2:
_tile_overlayer_lowered:
.L_overlay_start_2:
0x5c: {  	(tag) =	ssettag $0x2  }
0x5d: {  	s0 =	rddreg [dreg:$0x0];
	s2 =	stileid.u32  }
0x5e: {  	s1 =	rddreg [dreg:$0x1];
	p0 =	sne.s32 s2, $0x0  }
0x5f: {  	s3 =	rddreg [dreg:$0x2];
	[bflag:$0x3] =	sbarrier.arrive $0xFFFF;
	s2 =	simm.s32 @!p0 $0x1C02  }
0x60: {  	[timem:s3], [sflag:s2] =	dma.local @!p0 [hbm:s0], s1  }
0x61: {  	s0 =	simm.s32 @!p0 $0x2  }
0x62: {  	_ =	swait.ge @!p0 [sflag:s0], s1  }
0x63: {  	s1 =	ssub.s32 @!p0 $0x0, s1;
	[sflag:s0] =	ssyncset.done @!p0 $0x0  }
0x64: {  	[sflag:s0] =	ssyncadd.s32 @!p0 s1  }
0x65: {  	[bflag:$0x3] =	sbarrier.arrive $0xFFFF  }
0x66: {  	_ =	shalt  }

// kernel: kernel.7.cloned.1.call-start
scs
__scs_entry_jumppad:
0x0: {  	(pc) =	sbr.rel $0x88, $3  }
0x1: {  	(tag) =	ssettag $0x0;
	lr =	simm.s32 $0x1  }
0x2: {  	[smem:$0x3F9E] =	sst lr;
	_ =	strace $0xD0000000  }
0x3: {  	_ = 	snop  }
0x4: {  	_ = 	snop  }
0x5: {  	_ = 	snop  }
0x6: {  	_ = 	snop  }
0x7: {  	_ = 	snop  }
__scs_overlays_trampoline_lowered:
0x8: {  	[smem:$0x3FAD] =	sst s0  }
0x9: {  	[smem:$0x3FAE] =	sst s1  }
0xa: {  	[smem:$0x3FAF] =	sst s2  }
0xb: {  	[smem:$0x3FB0] =	sst s3  }
0xc: {  	[smem:$0x3FB1] =	sst s4  }
0xd: {  	[smem:$0x3FB2] =	sst s5  }
0xe: {  	[smem:$0x3FB3] =	sst s6  }
0xf: {  	[smem:$0x3FB4] =	sst s7  }
0x10: {  	[smem:$0x3FB5] =	sst s8  }
0x11: {  	[smem:$0x3FB6] =	sst s9;
	s0 =	simm.s32 @!p0 $0x0  }
0x12: {  	s1 =	sld [smem:$0x3F9C];
	s0 =	simm.s32 @p0 $0x1  }
0x13: {  	[smem:$0x3FB7] =	sst s0;
	s0 =	simm.s32 @!p1 $0x0  }
0x14: {  	s2 =	sld [smem:$0x3F9B];
	s0 =	simm.s32 @p1 $0x1  }
0x15: {  	[smem:$0x3FB8] =	sst s0;
	s0 =	simm.s32 @!p2 $0x0  }
0x16: {  	s3 =	sld [smem:$0x3FDB];
	s0 =	simm.s32 @p2 $0x1  }
0x17: {  	s4 =	simm.s32 $0x1BF5;
	[smem:$0x3FBA] =	sst s0  }
0x18: {  	s0 =	sld [smem:$0x3F9D];
	_ =	swait.ge [sflag:s4], $0x0  }
0x19: {  	s7 =	sld [smem:$0x3F9E]  }
0x1a: {  	s8 =	sadd.s32 $0xFFFFE003, lr  }
0x1b: {  	s9 =	sadd.s32 $0xFFFFFEF7, lr;
	s5 =	simm.s32 $0xFFFFFFFF;
	p2 =	slt.u32 s8, $0xFFFFF086  }
0x1c: {  	p1 =	slt.u32 s9, $0xF7A;
	s5 =	simm.s32 @!p2 $0x0  }
0x1d: {  	s5 =	simm.s32 @p1 $0x1;
	p0 =	seq.s32 s7, s2  }
0x1e: {  	s7 =	smul.u32 @!p0 $0xF7A, s2;
	p2 =	seq.s32 @!p0 s5, $0x0  }
0x1f: {  	s9 =	smul.u32 $0xF7A, s1;
	s8 =	simm.s32 @!p0 $0x1BF5;
	p2 =	por !p2, p0  }
0x20: {  	[sflag:s8] =	ssyncset.s32 @!p0 $0xFFFFF086;
	s6 =	sadd.s32 @!p0 s3, s7;
	s7 =	simm.s32 @!p0 $0x108  }
0x21: {  	s3 =	sadd.s32 s3, s9;
	s6 =	sadd.s32 @!p0 $0x88, s6;
	s7 =	simm.s32 @p2 $0x1082  }
0x22: {  	[simem:s7], [sflag:s8] =	dma.local @!p0 [hbm:s6], $0xF7A  }
0x23: {  	s9 =	sor.u32 $0xD0000000, s2;
	s6 =	simm.s32 $0x108;
	_ =	swait.ge @!p0 [sflag:s8], $0x0  }
0x24: {  	s3 =	sadd.s32 $0x88, s3;
	s6 =	simm.s32 @!p1 $0x1082;
	[sflag:s4] =	ssyncset.s32 $0xFFFFF086  }
0x25: {  	[simem:s6], [sflag:s4] =	dma.local [hbm:s3], $0xF7A  }
0x26: {  	[smem:$0x3F9E] =	sst s1;
	(tag) =	ssettag s2;
	_ =	strace s9  }
0x27: {  	s1 =	sld [smem:$0x3FAE]  }
0x28: {  	s2 =	sld [smem:$0x3FAF]  }
0x29: {  	s4 =	sld [smem:$0x3FB1]  }
0x2a: {  	p0 =	seq.s32 s5, $0x0;
	s5 =	sld [smem:$0x3FB2]  }
0x2b: {  	s6 =	sld [smem:$0x3FB3]  }
0x2c: {  	s7 =	sld [smem:$0x3FB4]  }
0x2d: {  	s3 =	simm.s32 $0x108;
	s8 =	sld [smem:$0x3FB5]  }
0x2e: {  	s3 =	simm.s32 @!p0 $0x1082;
	s9 =	sld [smem:$0x3FB6]  }
0x2f: {  	lr =	sadd.s32 s0, s3;
	s0 =	sld [smem:$0x3FAD]  }
0x30: {  	s3 =	sld [smem:$0x3FB0]  }
0x31: {  	[smem:$0x3FB9] =	sst s10  }
0x32: {  	s10 =	sld [smem:$0x3FB7];
	_ =	sdelay $0x3  }
0x33: {  	p0 =	seq.s32 s10, $0x1;
	s10 =	sld [smem:$0x3FB9];
	_ =	sdelay $0x3  }
0x34: {  	[smem:$0x3FB9] =	sst s10  }
0x35: {  	s10 =	sld [smem:$0x3FB8];
	_ =	sdelay $0x3  }
0x36: {  	p1 =	seq.s32 s10, $0x1;
	s10 =	sld [smem:$0x3FB9];
	_ =	sdelay $0x3  }
0x37: {  	[smem:$0x3FB9] =	sst s10  }
0x38: {  	s10 =	sld [smem:$0x3FBA]  }
0x39: {  	_ = 	snop;
	(pc) =	sbr.ind lr, $3  }
0x3a: {  	_ = 	snop  }
0x3b: {  	_ = 	snop  }
0x3c: {  	p2 =	seq.s32 s10, $0x1;
	s10 =	sld [smem:$0x3FB9]  }
0x3d: {  	_ =	shalt  }
0x3e: {  	_ =	shalt  }
0x3f: {  	_ =	shalt  }
0x40: {  	_ =	shalt  }
0x41: {  	_ =	shalt  }
0x42: {  	_ =	shalt  }
0x43: {  	_ =	shalt  }
0x44: {  	_ =	shalt  }
0x45: {  	_ =	shalt  }
0x46: {  	_ =	shalt  }
0x47: {  	_ =	shalt  }
0x48: {  	_ =	shalt  }
0x49: {  	_ =	shalt  }
0x4a: {  	_ =	shalt  }
0x4b: {  	_ =	shalt  }
0x4c: {  	_ =	shalt  }
0x4d: {  	_ =	shalt  }
0x4e: {  	_ =	shalt  }
0x4f: {  	_ =	shalt  }
0x50: {  	_ =	shalt  }
0x51: {  	_ =	shalt  }
0x52: {  	_ =	shalt  }
0x53: {  	_ =	shalt  }
0x54: {  	_ =	shalt  }
0x55: {  	_ =	shalt  }
0x56: {  	_ =	shalt  }
0x57: {  	_ =	shalt  }
0x58: {  	_ =	shalt  }
0x59: {  	_ =	shalt  }
0x5a: {  	_ =	shalt  }
0x5b: {  	_ =	shalt  }
0x5c: {  	_ =	shalt  }
0x5d: {  	_ =	shalt  }
0x5e: {  	_ =	shalt  }
0x5f: {  	_ =	shalt  }
0x60: {  	_ =	shalt  }
0x61: {  	_ =	shalt  }
0x62: {  	_ =	shalt  }
0x63: {  	_ =	shalt  }
0x64: {  	_ =	shalt  }
0x65: {  	_ =	shalt  }
0x66: {  	_ =	shalt  }
0x67: {  	_ =	shalt  }
0x68: {  	_ =	shalt  }
0x69: {  	_ =	shalt  }
0x6a: {  	_ =	shalt  }
0x6b: {  	_ =	shalt  }
0x6c: {  	_ =	shalt  }
0x6d: {  	_ =	shalt  }
0x6e: {  	_ =	shalt  }
0x6f: {  	_ =	shalt  }
0x70: {  	_ =	shalt  }
0x71: {  	_ =	shalt  }
0x72: {  	_ =	shalt  }
0x73: {  	_ =	shalt  }
0x74: {  	_ =	shalt  }
0x75: {  	_ =	shalt  }
0x76: {  	_ =	shalt  }
0x77: {  	_ =	shalt  }
0x78: {  	_ =	shalt  }
0x79: {  	_ =	shalt  }
0x7a: {  	_ =	shalt  }
0x7b: {  	_ =	shalt  }
0x7c: {  	_ =	shalt  }
0x7d: {  	_ =	shalt  }
0x7e: {  	_ =	shalt  }
0x7f: {  	_ =	shalt  }
0x80: {  	_ =	shalt  }
0x81: {  	_ =	shalt  }
0x82: {  	_ =	shalt  }
0x83: {  	_ =	shalt  }
0x84: {  	_ =	shalt  }
0x85: {  	_ =	shalt  }
0x86: {  	_ =	shalt  }
0x87: {  	_ =	shalt  }
.Lfunc_end0:
.L_simem_size_0:
called_computation_lowered:
.L_overlay_start_0:
0x88: {  	s2 =	sld [smem:$0x3FD9]  }
0x89: {  	s3 =	sld [smem:$0x3FFE];
	_ =	sdelay $0x1  }
0x8a: {  	s1 =	srdreg.scid  }
0x8b: {  	s0 =	sand.u32 $0x1, s1  }
0x8c: {  	s17 =	sshll.u32 s0, $0xA;
	s2 =	sadd.s32 s3, s2  }
0x8d: {  	s2 =	sadd.s32 s2, s17  }
0x8e: {  	[smem:$0x3FC5] =	sst s2  }
0x8f: {  	_ = 	snop  }
0x90: {  	s2 =	sld [smem:$0x3FC9];
	(tm) =	ssettm $0x1  }
0x91: {  	s18 =	sld [smem:$0x3FFB];
	_ =	sdelay $0x3  }
0x92: {  	_ =	strace s18  }
0x93: {  	s3 =	sld [smem:$0x3FFC];
	_ =	sdelay $0x3  }
0x94: {  	_ =	strace s3  }
0x95: {  	s3 =	sld [smem:$0x3FFD];
	_ =	sdelay $0x3  }
0x96: {  	_ =	strace s3  }
0x97: {  	_ =	strace $0x8FFFFFFF  }
0x98: {  	s19 =	sld [smem:$0x3FDB];
	_ =	sdelay $0x1  }
0x99: {  	s4 =	simm.s32 $_scs_section_size  }
0x9a: {  	s5 =	simm.s32 $_size__tile_overlayer_lowered;
	s6 =	simm.s32 $_tile_overlayer_lowered  }
0x9b: {  	s22 =	simm.s32 $0x1BFF;
	s21 =	sshll.u32 s6, $0x1;
	s3 =	sadd.s32 s4, s19  }
0x9c: {  	s7 =	simm.s32 $0x0;
	s20 =	sshll.u32 s5, $0x1;
	s5 =	sadd.s32 s21, s3  }
0x9d: {  	[timem:s7], [sflag:s22] =	dma.local [hbm:s5], s20  }
0x9e: {  	_ =	swait.ge [sflag:s22], s20  }
0x9f: {  	s4 =	ssub.s32 $0x0, s20;
	[sflag:s22] =	ssyncset.done $0x0  }
0xa0: {  	[sflag:s22] =	ssyncadd.s32 s4;
	_ =	sdelay $0x1  }
0xa1: {  	s23 =	simm.s32 $0x1B8B  }
0xa2: {  	_ =	swait.ge [sflag:s23], $0x1  }
0xa3: {  	[sflag:s23] =	ssyncset.done $0x0  }
0xa4: {  	s25 =	simm.s32 $0x1B8E;
	s24 =	sld [smem:$0x3FFE];
	[sflag:s23] =	ssyncadd.s32 $0xFFFFFFFF  }
0xa5: {  	s26 =	simm.s32 $execute0_lowered;
	[smem:$0x3FD2] =	sst s25  }
0xa6: {  	s5 =	sshll.u32 s26, $0x1;
	_ =	strace $0x80000046;
	[dreg:$0x1] =	wrdreg $0xFFFFFFFF  }
0xa7: {  	s28 =	simm.s32 $_size_execute0_lowered;
	s3 =	sadd.s32 s3, s5;
	[dreg:$0x0] =	wrdreg $0x0  }
0xa8: {  	s5 =	sshll.u32 s28, $0x1;
	[dreg:$0x2] =	wrdreg s3  }
0xa9: {  	[dreg:$0x3] =	wrdreg s5  }
0xaa: {  	[dreg:$0x4] =	wrdreg $0xC0  }
0xab: {  	_ =	task [dreg:s7], $0x5FFFF  }
0xac: {  	[dreg:$0x1] =	wrdreg $0xFFFFFFFF  }
0xad: {  	[dreg:$0x0] =	wrdreg $0x60  }
0xae: {  	[dreg:$0x2] =	wrdreg s2  }
0xaf: {  	[dreg:$0x3] =	wrdreg s24  }
0xb0: {  	[dreg:$0x4] =	wrdreg $0x9  }
0xb1: {  	_ =	task.clear_ibuf [dreg:s7], $0x5FFFF;
	_ =	strace $0x90000046  }
0xb2: {  	s29 =	simm.s32 $0x9;
	_ =	strace $0x80000048  }
0xb3: {  	_ =	swait.ge [sflag:s29], $0x1  }
0xb4: {  	[sflag:s29] =	ssyncadd.s32 $0xFFFFFFFF  }
0xb5: {  	_ =	strace $0x90000048  }
0xb6: {  	_ =	sfence  }
0xb7: {  	s30 =	sld [smem:$0x0];
	_ =	sdelay $0x2  }
0xb8: {  	s31 =	sshll.u32 s1, $0xD;
	s1 =	sshrl.u32 s1, $0x2  }
0xb9: {  	s3 =	sand.u32 $0x4000, s31;
	s1 =	sadd.s32 s1, s30  }
0xba: {  	s0 =	sor.u32 s3, s0;
	s1 =	sshll.u32 s1, $0x11  }
0xbb: {  	s0 =	sor.u32 s1, s0  }
0xbc: {  	s0 =	sadd.s32 $0x8F2B, s0  }
0xbd: {  	[sflag:s0] =	ssyncadd.remote.s32 $0x1  }
0xbe: {  	_ =	sfence.sel $0xFFFF  }
0xbf: {  	[dreg:$0x0] =	wrdreg $0xFFFFFFFF;
	(pc) =	sbr.abs _section_cstart, $3  }
0xc0: {  	[dreg:$0x1] =	wrdreg $0xFFFFFFFF  }
0xc1: {  	_ =	task.clear_ibuf [dreg:s7], $0x2FFFF;
	_ =	strace $0x9FFFFFFF  }
0xc2: {  	(tm) =	ssettm $0x7FFFFFFF  }
0xc3: {  	_ =	shalt  }
tec
execute0_lowered:
.L_overlay_start_1:
0x0: {  	(tag) =	ssettag $0x1  }
0x1: {  	s3 =	rddreg [dreg:$0x0];
	s1 =	srdreg.scid  }
0x2: {  	s0 =	stileid.u32;
	s4 =	rddreg [dreg:$0x1];
	s9 =	simm.s32 $0x80  }
0x3: {  	s10 =	simm.s32 $0x400;
	s11 =	simm.s32 $0x4000;
	s12 =	simm.s32 $0x0  }
0x4: {  	s5 =	sand.u32 $0x1, s1;
	s2 =	sshll.u32 s0, $0x1;
	s1 =	rddreg [dreg:$0x2]  }
0x5: {  	s7 =	sshrl.u32 s0, $0x2;
	s6 =	sor.u32 s5, s2;
	s2 =	simm.s32 $0x0  }
0x6: {  	s7 =	smul.u32 $0x1A000, s7;
	s5 =	ssub.s32 $0x2, s5;
	s8 =	sshll.u32 s6, $0x7  }
0x7: {  	[smem:$0x7FF] =	sst s2;
	s31 =	sshrl.u32 s5, $0x1;
	s8 =	sand.u32 $0x380, s8  }
0x8: {  	s6 =	sshll.u32 s6, $0x9;
	_ =	strace $0x80000047;
	s7 =	sor.u32 s7, s8  }
0x9: {  	s5 =	ssub.s32 s5, s31;
	s3 =	sadd.s32 s3, s6;
	s7 =	sshrl.u32 s7, $0x3  }
0xa: {  	s6 =	simm.s32 $0x1000;
	s5 =	smax.u32 s5, $0x1;
	s4 =	sadd.s32 s7, s4  }
0xb: {  	s8 =	simm.s32 $0x1;
	s7 =	simm.s32 $0x20000;
	s4 =	sadd.s32 $0x1000, s4  }
.LBB2_1:
0xc: {  	[tilespmem:s2], [sflag:$0x1] =	stream.strided.gather [hbm4b:s3+s6], $0x4000, s7, s6, $0x38;
	[tilespmem:$0x7400] =	vst v63  }
0xd: {  	_ =	swait.ge [sflag:s8], $0x4000  }
0xe: {  	s13 =	sand.u32 $0x70, s2;
	s14 =	sand.u32 $0xC00, s2;
	[sflag:s8] =	ssyncset.done $0x0  }
0xf: {  	s14 =	sor.u32 s13, s14;
	[sflag:s8] =	ssyncadd.s32 $0xFFFFC000  }
0x10: {  	v0 =	vld [tilespmem:s14+$0x0];
	_ =	sdelay $0x4  }
0x11: {  	[tilespmem:s11+$0x0] =	vst v0  }
0x12: {  	v0 =	vld [tilespmem:s14+$0x80];
	_ =	sdelay $0x4  }
0x13: {  	s13 =	sand.u32 $0x1F0, s2;
	v0 =	vadd.s32 $0x186A0, v0  }
0x14: {  	[tilespmem:s13+$0x4200] =	vst v0  }
0x15: {  	v0 =	vld [tilespmem:s14+$0x100];
	_ =	sdelay $0x4  }
0x16: {  	v0 =	vadd.s32 $0x30D40, v0  }
0x17: {  	[tilespmem:s13+$0x4400] =	vst v0  }
0x18: {  	v0 =	vld [tilespmem:s14+$0x180];
	_ =	sdelay $0x4  }
0x19: {  	v0 =	vadd.s32 $0x493E0, v0  }
0x1a: {  	[tilespmem:s13+$0x4600] =	vst v0  }
0x1b: {  	v0 =	vld [tilespmem:s14+$0x200];
	_ =	sdelay $0x4  }
0x1c: {  	v0 =	vadd.s32 $0x61A80, v0  }
0x1d: {  	[tilespmem:s13+$0x4800] =	vst v0  }
0x1e: {  	v0 =	vld [tilespmem:s14+$0x280];
	_ =	sdelay $0x4  }
0x1f: {  	v0 =	vadd.s32 $0x7A120, v0  }
0x20: {  	[tilespmem:s13+$0x4A00] =	vst v0  }
0x21: {  	v0 =	vld [tilespmem:s14+$0x300];
	_ =	sdelay $0x3  }
0x22: {  	s15 =	sor.u32 s2, s2  }
0x23: {  	s15 =	sor.u32 $0x380, s15;
	[tilespmem:s13+$0x4C00] =	vst v0  }
0x24: {  	v0 =	vld [tilespmem:s15+$0x0];
	_ =	sdelay $0x4  }
0x25: {  	v0 =	vadd.s32 $0x186A0, v0  }
0x26: {  	[tilespmem:s13+$0x4E00] =	vst v0  }
0x27: {  	v0 =	vld [tilespmem:s14+$0x1000];
	_ =	sdelay $0x4  }
0x28: {  	v0 =	vadd.s32 $0x30D40, v0  }
0x29: {  	[tilespmem:s13+$0x5000] =	vst v0  }
0x2a: {  	v0 =	vld [tilespmem:s14+$0x1080];
	_ =	sdelay $0x4  }
0x2b: {  	v0 =	vadd.s32 $0x493E0, v0  }
0x2c: {  	[tilespmem:s13+$0x5200] =	vst v0  }
0x2d: {  	v0 =	vld [tilespmem:s14+$0x1100];
	_ =	sdelay $0x4  }
0x2e: {  	v0 =	vadd.s32 $0x61A80, v0  }
0x2f: {  	[tilespmem:s13+$0x5400] =	vst v0  }
0x30: {  	v0 =	vld [tilespmem:s14+$0x1180];
	_ =	sdelay $0x4  }
0x31: {  	v0 =	vadd.s32 $0x7A120, v0  }
0x32: {  	[tilespmem:s13+$0x5600] =	vst v0  }
0x33: {  	v0 =	vld [tilespmem:s14+$0x1200];
	_ =	sdelay $0x4  }
0x34: {  	[tilespmem:s13+$0x5800] =	vst v0  }
0x35: {  	v0 =	vld [tilespmem:s14+$0x1280];
	_ =	sdelay $0x4  }
0x36: {  	v0 =	vadd.s32 $0x186A0, v0  }
0x37: {  	[tilespmem:s13+$0x5A00] =	vst v0  }
0x38: {  	v0 =	vld [tilespmem:s14+$0x1300];
	_ =	sdelay $0x4  }
0x39: {  	v0 =	vadd.s32 $0x30D40, v0  }
0x3a: {  	[tilespmem:s13+$0x5C00] =	vst v0  }
0x3b: {  	v0 =	vld [tilespmem:s14+$0x1380];
	_ =	sdelay $0x4  }
0x3c: {  	v0 =	vadd.s32 $0x493E0, v0  }
0x3d: {  	[tilespmem:s13+$0x5E00] =	vst v0  }
0x3e: {  	v0 =	vld [tilespmem:s14+$0x2000];
	_ =	sdelay $0x4  }
0x3f: {  	v0 =	vadd.s32 $0x61A80, v0  }
0x40: {  	[tilespmem:s13+$0x6000] =	vst v0  }
0x41: {  	v0 =	vld [tilespmem:s14+$0x2080];
	_ =	sdelay $0x4  }
0x42: {  	v0 =	vadd.s32 $0x7A120, v0  }
0x43: {  	[tilespmem:s13+$0x6200] =	vst v0  }
0x44: {  	v0 =	vld [tilespmem:s14+$0x2100];
	_ =	sdelay $0x4  }
0x45: {  	v0 =	vadd.s32 $0x927C0, v0  }
0x46: {  	[tilespmem:s13+$0x6400] =	vst v0  }
0x47: {  	v0 =	vld [tilespmem:s14+$0x2180];
	_ =	sdelay $0x4  }
0x48: {  	[tilespmem:s13+$0x6600] =	vst v0  }
0x49: {  	v0 =	vld [tilespmem:s14+$0x2200];
	_ =	sdelay $0x4  }
0x4a: {  	v0 =	vadd.s32 $0x186A0, v0  }
0x4b: {  	[tilespmem:s13+$0x6800] =	vst v0  }
0x4c: {  	v0 =	vld [tilespmem:s14+$0x2280];
	_ =	sdelay $0x4  }
0x4d: {  	v0 =	vadd.s32 $0x30D40, v0  }
0x4e: {  	[tilespmem:s13+$0x6A00] =	vst v0  }
0x4f: {  	v0 =	vld [tilespmem:s14+$0x2300];
	_ =	sdelay $0x4  }
0x50: {  	v0 =	vadd.s32 $0x493E0, v0  }
0x51: {  	[tilespmem:s13+$0x6C00] =	vst v0  }
0x52: {  	v0 =	vld [tilespmem:s14+$0x2380];
	_ =	sdelay $0x4  }
0x53: {  	v0 =	vadd.s32 $0x61A80, v0  }
0x54: {  	[tilespmem:s13+$0x6E00] =	vst v0  }
0x55: {  	v0 =	vld [tilespmem:s14+$0x3000];
	_ =	sdelay $0x4  }
0x56: {  	v0 =	vadd.s32 $0x7A120, v0  }
0x57: {  	[tilespmem:s13+$0x7000] =	vst v0  }
0x58: {  	v0 =	vld [tilespmem:s14+$0x3080];
	_ =	sdelay $0x3  }
0x59: {  	s17 =	simm.s32 $0x20;
	s15 =	simm.s32 $0x80;
	s14 =	simm.s32 $0x10  }
0x5a: {  	s16 =	simm.s32 $0x4000;
	s19 =	sand.u32 $0xC00, s15;
	s18 =	sand.u32 $0x70, s14;
	v0 =	vadd.s32 $0x927C0, v0  }
.LBB2_2:
0x5b: {  	p0 =	sne.s32 s17, $0x1F0;
	s18 =	sor.u32 s18, s19;
	[tilespmem:s13+$0x7200] =	vst v0  }
0x5c: {  	v0 =	vld [tilespmem:s18+$0x0];
	_ =	sdelay $0x3  }
0x5d: {  	s16 =	sadd.s32 $0x10, s16  }
0x5e: {  	[tilespmem:s16+$0x0] =	vst v0  }
0x5f: {  	v0 =	vld [tilespmem:s18+$0x80];
	_ =	sdelay $0x4  }
0x60: {  	s13 =	sand.u32 $0x1F0, s14;
	v0 =	vadd.s32 $0x186A0, v0  }
0x61: {  	[tilespmem:s13+$0x4200] =	vst v0  }
0x62: {  	v0 =	vld [tilespmem:s18+$0x100];
	_ =	sdelay $0x4  }
0x63: {  	v0 =	vadd.s32 $0x30D40, v0  }
0x64: {  	[tilespmem:s13+$0x4400] =	vst v0  }
0x65: {  	v0 =	vld [tilespmem:s18+$0x180];
	_ =	sdelay $0x4  }
0x66: {  	v0 =	vadd.s32 $0x493E0, v0  }
0x67: {  	[tilespmem:s13+$0x4600] =	vst v0  }
0x68: {  	v0 =	vld [tilespmem:s18+$0x200];
	_ =	sdelay $0x4  }
0x69: {  	v0 =	vadd.s32 $0x61A80, v0  }
0x6a: {  	[tilespmem:s13+$0x4800] =	vst v0  }
0x6b: {  	v0 =	vld [tilespmem:s18+$0x280];
	_ =	sdelay $0x4  }
0x6c: {  	v0 =	vadd.s32 $0x7A120, v0  }
0x6d: {  	[tilespmem:s13+$0x4A00] =	vst v0  }
0x6e: {  	v0 =	vld [tilespmem:s18+$0x300];
	_ =	sdelay $0x3  }
0x6f: {  	s19 =	sor.u32 s15, s14;
	s14 =	smov.u32 s17  }
0x70: {  	s19 =	sor.u32 $0x380, s19;
	[tilespmem:s13+$0x4C00] =	vst v0  }
0x71: {  	v0 =	vld [tilespmem:s19+$0x0];
	_ =	sdelay $0x4  }
0x72: {  	v0 =	vadd.s32 $0x186A0, v0  }
0x73: {  	[tilespmem:s13+$0x4E00] =	vst v0  }
0x74: {  	v0 =	vld [tilespmem:s18+$0x1000];
	_ =	sdelay $0x4  }
0x75: {  	v0 =	vadd.s32 $0x30D40, v0  }
0x76: {  	[tilespmem:s13+$0x5000] =	vst v0  }
0x77: {  	v0 =	vld [tilespmem:s18+$0x1080];
	_ =	sdelay $0x4  }
0x78: {  	v0 =	vadd.s32 $0x493E0, v0  }
0x79: {  	[tilespmem:s13+$0x5200] =	vst v0  }
0x7a: {  	v0 =	vld [tilespmem:s18+$0x1100];
	_ =	sdelay $0x4  }
0x7b: {  	v0 =	vadd.s32 $0x61A80, v0  }
0x7c: {  	[tilespmem:s13+$0x5400] =	vst v0  }
0x7d: {  	v0 =	vld [tilespmem:s18+$0x1180];
	_ =	sdelay $0x4  }
0x7e: {  	v0 =	vadd.s32 $0x7A120, v0  }
0x7f: {  	[tilespmem:s13+$0x5600] =	vst v0  }
0x80: {  	v0 =	vld [tilespmem:s18+$0x1200];
	_ =	sdelay $0x4  }
0x81: {  	[tilespmem:s13+$0x5800] =	vst v0  }
0x82: {  	v0 =	vld [tilespmem:s18+$0x1280];
	_ =	sdelay $0x4  }
0x83: {  	v0 =	vadd.s32 $0x186A0, v0  }
0x84: {  	[tilespmem:s13+$0x5A00] =	vst v0  }
0x85: {  	v0 =	vld [tilespmem:s18+$0x1300];
	_ =	sdelay $0x4  }
0x86: {  	v0 =	vadd.s32 $0x30D40, v0  }
0x87: {  	[tilespmem:s13+$0x5C00] =	vst v0  }
0x88: {  	v0 =	vld [tilespmem:s18+$0x1380];
	_ =	sdelay $0x4  }
0x89: {  	v0 =	vadd.s32 $0x493E0, v0  }
0x8a: {  	[tilespmem:s13+$0x5E00] =	vst v0  }
0x8b: {  	v0 =	vld [tilespmem:s18+$0x2000];
	_ =	sdelay $0x4  }
0x8c: {  	v0 =	vadd.s32 $0x61A80, v0  }
0x8d: {  	[tilespmem:s13+$0x6000] =	vst v0  }
0x8e: {  	v0 =	vld [tilespmem:s18+$0x2080];
	_ =	sdelay $0x4  }
0x8f: {  	v0 =	vadd.s32 $0x7A120, v0  }
0x90: {  	[tilespmem:s13+$0x6200] =	vst v0  }
0x91: {  	v0 =	vld [tilespmem:s18+$0x2100];
	_ =	sdelay $0x4  }
0x92: {  	v0 =	vadd.s32 $0x927C0, v0  }
0x93: {  	[tilespmem:s13+$0x6400] =	vst v0  }
0x94: {  	v0 =	vld [tilespmem:s18+$0x2180];
	_ =	sdelay $0x4  }
0x95: {  	[tilespmem:s13+$0x6600] =	vst v0  }
0x96: {  	v0 =	vld [tilespmem:s18+$0x2200];
	_ =	sdelay $0x4  }
0x97: {  	v0 =	vadd.s32 $0x186A0, v0  }
0x98: {  	[tilespmem:s13+$0x6800] =	vst v0  }
0x99: {  	v0 =	vld [tilespmem:s18+$0x2280];
	_ =	sdelay $0x4  }
0x9a: {  	v0 =	vadd.s32 $0x30D40, v0  }
0x9b: {  	[tilespmem:s13+$0x6A00] =	vst v0  }
0x9c: {  	v0 =	vld [tilespmem:s18+$0x2300];
	_ =	sdelay $0x4  }
0x9d: {  	v0 =	vadd.s32 $0x493E0, v0  }
0x9e: {  	[tilespmem:s13+$0x6C00] =	vst v0  }
0x9f: {  	v0 =	vld [tilespmem:s18+$0x2380];
	_ =	sdelay $0x4  }
0xa0: {  	v0 =	vadd.s32 $0x61A80, v0  }
0xa1: {  	[tilespmem:s13+$0x6E00] =	vst v0  }
0xa2: {  	v0 =	vld [tilespmem:s18+$0x3000];
	_ =	sdelay $0x4  }
0xa3: {  	v0 =	vadd.s32 $0x7A120, v0  }
0xa4: {  	[tilespmem:s13+$0x7000] =	vst v0  }
0xa5: {  	v0 =	vld [tilespmem:s18+$0x3080]  }
.Ltmp0:
0xa6: {  	(pc) =	sbr.rel @p0 .LBB2_2-.Ltmp0, $3  }
0xa7: {  	_ =	sdelay $0x1  }
0xa8: {  	s15 =	sadd.s32 $0x80, s15  }
0xa9: {  	s17 =	sadd.s32 $0x10, s17;
	s19 =	sand.u32 $0xC00, s15;
	s18 =	sand.u32 $0x70, s14;
	v0 =	vadd.s32 $0x927C0, v0  }
0xaa: {  	s17 =	sor.u32 s18, s19;
	[tilespmem:s13+$0x7200] =	vst v0  }
0xab: {  	v0 =	vld [tilespmem:s17+$0x0];
	_ =	sdelay $0x3  }
0xac: {  	s29 =	sadd.s32 $0x10, s16  }
0xad: {  	[tilespmem:s29+$0x0] =	vst v0  }
0xae: {  	v0 =	vld [tilespmem:s17+$0x80];
	_ =	sdelay $0x4  }
0xaf: {  	s30 =	sand.u32 $0x1F0, s14;
	v0 =	vadd.s32 $0x186A0, v0  }
0xb0: {  	[tilespmem:s30+$0x4200] =	vst v0  }
0xb1: {  	v0 =	vld [tilespmem:s17+$0x100];
	_ =	sdelay $0x4  }
0xb2: {  	v0 =	vadd.s32 $0x30D40, v0  }
0xb3: {  	[tilespmem:s30+$0x4400] =	vst v0  }
0xb4: {  	v0 =	vld [tilespmem:s17+$0x180];
	_ =	sdelay $0x4  }
0xb5: {  	v0 =	vadd.s32 $0x493E0, v0  }
0xb6: {  	[tilespmem:s30+$0x4600] =	vst v0  }
0xb7: {  	v0 =	vld [tilespmem:s17+$0x200];
	_ =	sdelay $0x4  }
0xb8: {  	v0 =	vadd.s32 $0x61A80, v0  }
0xb9: {  	[tilespmem:s30+$0x4800] =	vst v0  }
0xba: {  	v0 =	vld [tilespmem:s17+$0x280];
	_ =	sdelay $0x4  }
0xbb: {  	v0 =	vadd.s32 $0x7A120, v0  }
0xbc: {  	[tilespmem:s30+$0x4A00] =	vst v0  }
0xbd: {  	v0 =	vld [tilespmem:s17+$0x300];
	_ =	sdelay $0x3  }
0xbe: {  	s31 =	sor.u32 s15, s14  }
0xbf: {  	s14 =	sor.u32 $0x380, s31;
	[tilespmem:s30+$0x4C00] =	vst v0  }
0xc0: {  	v0 =	vld [tilespmem:s14+$0x0];
	_ =	sdelay $0x4  }
0xc1: {  	v0 =	vadd.s32 $0x186A0, v0  }
0xc2: {  	[tilespmem:s30+$0x4E00] =	vst v0  }
0xc3: {  	v0 =	vld [tilespmem:s17+$0x1000];
	_ =	sdelay $0x4  }
0xc4: {  	v0 =	vadd.s32 $0x30D40, v0  }
0xc5: {  	[tilespmem:s30+$0x5000] =	vst v0  }
0xc6: {  	v0 =	vld [tilespmem:s17+$0x1080];
	_ =	sdelay $0x4  }
0xc7: {  	v0 =	vadd.s32 $0x493E0, v0  }
0xc8: {  	[tilespmem:s30+$0x5200] =	vst v0  }
0xc9: {  	v0 =	vld [tilespmem:s17+$0x1100];
	_ =	sdelay $0x4  }
0xca: {  	v0 =	vadd.s32 $0x61A80, v0  }
0xcb: {  	[tilespmem:s30+$0x5400] =	vst v0  }
0xcc: {  	v0 =	vld [tilespmem:s17+$0x1180];
	_ =	sdelay $0x4  }
0xcd: {  	v0 =	vadd.s32 $0x7A120, v0  }
0xce: {  	[tilespmem:s30+$0x5600] =	vst v0  }
0xcf: {  	v0 =	vld [tilespmem:s17+$0x1200];
	_ =	sdelay $0x4  }
0xd0: {  	[tilespmem:s30+$0x5800] =	vst v0  }
0xd1: {  	v0 =	vld [tilespmem:s17+$0x1280];
	_ =	sdelay $0x4  }
0xd2: {  	v0 =	vadd.s32 $0x186A0, v0  }
0xd3: {  	[tilespmem:s30+$0x5A00] =	vst v0  }
0xd4: {  	v0 =	vld [tilespmem:s17+$0x1300];
	_ =	sdelay $0x4  }
0xd5: {  	v0 =	vadd.s32 $0x30D40, v0  }
0xd6: {  	[tilespmem:s30+$0x5C00] =	vst v0  }
0xd7: {  	v0 =	vld [tilespmem:s17+$0x1380];
	_ =	sdelay $0x4  }
0xd8: {  	v0 =	vadd.s32 $0x493E0, v0  }
0xd9: {  	[tilespmem:s30+$0x5E00] =	vst v0  }
0xda: {  	v0 =	vld [tilespmem:s17+$0x2000];
	_ =	sdelay $0x4  }
0xdb: {  	v0 =	vadd.s32 $0x61A80, v0  }
0xdc: {  	[tilespmem:s30+$0x6000] =	vst v0  }
0xdd: {  	v0 =	vld [tilespmem:s17+$0x2080];
	_ =	sdelay $0x4  }
0xde: {  	v0 =	vadd.s32 $0x7A120, v0  }
0xdf: {  	[tilespmem:s30+$0x6200] =	vst v0  }
0xe0: {  	v0 =	vld [tilespmem:s17+$0x2100];
	_ =	sdelay $0x4  }
0xe1: {  	v0 =	vadd.s32 $0x927C0, v0  }
0xe2: {  	[tilespmem:s30+$0x6400] =	vst v0  }
0xe3: {  	v0 =	vld [tilespmem:s17+$0x2180];
	_ =	sdelay $0x4  }
0xe4: {  	[tilespmem:s30+$0x6600] =	vst v0  }
0xe5: {  	v0 =	vld [tilespmem:s17+$0x2200];
	_ =	sdelay $0x4  }
0xe6: {  	v0 =	vadd.s32 $0x186A0, v0  }
0xe7: {  	[tilespmem:s30+$0x6800] =	vst v0  }
0xe8: {  	v0 =	vld [tilespmem:s17+$0x2280];
	_ =	sdelay $0x4  }
0xe9: {  	v0 =	vadd.s32 $0x30D40, v0  }
0xea: {  	[tilespmem:s30+$0x6A00] =	vst v0  }
0xeb: {  	v0 =	vld [tilespmem:s17+$0x2300];
	_ =	sdelay $0x4  }
0xec: {  	v0 =	vadd.s32 $0x493E0, v0  }
0xed: {  	[tilespmem:s30+$0x6C00] =	vst v0  }
0xee: {  	v0 =	vld [tilespmem:s17+$0x2380];
	_ =	sdelay $0x4  }
0xef: {  	v0 =	vadd.s32 $0x61A80, v0  }
0xf0: {  	[tilespmem:s30+$0x6E00] =	vst v0  }
0xf1: {  	v0 =	vld [tilespmem:s17+$0x3000];
	_ =	sdelay $0x4  }
0xf2: {  	v0 =	vadd.s32 $0x7A120, v0  }
0xf3: {  	[tilespmem:s30+$0x7000] =	vst v0  }
0xf4: {  	v0 =	vld [tilespmem:s17+$0x3080];
	_ =	sdelay $0x3  }
0xf5: {  	s12 =	sadd.s32 $0x1, s12  }
0xf6: {  	p0 =	sne.s32 s12, s5;
	v0 =	vadd.s32 $0x927C0, v0  }
.Ltmp1:
0xf7: {  	[tilespmem:s30+$0x7200] =	vst v0;
	(pc) =	sbr.rel @p0 .LBB2_1-.Ltmp1, $4  }
0xf8: {  	[hbm4b:s4+s9] =	stream.strided.scatter [tilespmem:s11], [sflag:$0x1], $0x3400, s10, s9, $0x38;
	[tilespmem:$0x7400] =	vst v63  }
0xf9: {  	_ =	swait.ge [sflag:s8], $0x3400  }
0xfa: {  	[sflag:s8] =	ssyncset.done $0x0  }
0xfb: {  	[sflag:s8] =	ssyncadd.s32 $0xFFFFCC00  }
0xfc: {  	_ =	sfence.sel $0x180000  }
0xfd: {  	[bflag:$0x0] =	sbarrier.arrive $0xFFFF  }
0xfe: {  	p0 =	sne.s32 s0, $0x0;
	_ =	strace $0x90000047  }
0xff: {  	s0 =	sadd.s32 @!p0 $0x100000, s1;
	[bflag:$0x2] =	sbarrier.arrive $0xFFFF  }
0x100: {  	[sflag:s0] =	ssyncadd.tile.s32 @!p0 $0x1;
	_ =	shalt  }
.Lfunc_end2:
_tile_overlayer_lowered:
.L_overlay_start_2:
0x101: {  	(tag) =	ssettag $0x2  }
0x102: {  	s0 =	rddreg [dreg:$0x0];
	s2 =	stileid.u32  }
0x103: {  	s1 =	rddreg [dreg:$0x1];
	p0 =	sne.s32 s2, $0x0  }
0x104: {  	s3 =	rddreg [dreg:$0x2];
	[bflag:$0x3] =	sbarrier.arrive $0xFFFF;
	s2 =	simm.s32 @!p0 $0x1C01  }
0x105: {  	[timem:s3], [sflag:s2] =	dma.local @!p0 [hbm:s0], s1  }
0x106: {  	s0 =	simm.s32 @!p0 $0x1  }
0x107: {  	_ =	swait.ge @!p0 [sflag:s0], s1  }
0x108: {  	s1 =	ssub.s32 @!p0 $0x0, s1;
	[sflag:s0] =	ssyncset.done @!p0 $0x0  }
0x109: {  	[sflag:s0] =	ssyncadd.s32 @!p0 s1  }
0x10a: {  	[bflag:$0x3] =	sbarrier.arrive $0xFFFF  }
0x10b: {  	_ =	shalt  }

</sc_bundles>
